<compile_context>
chip_gen: v7x
topology: tpu7x:2x2x1
jax: 0.10.2.dev20260603
libtpu: 0.0.44.dev20260713+nightly
codegen_flags: <defaults>
</compile_context>

<pallas_src>
import functools

import jax
import jax.numpy as jnp
from jax import lax
from jax.experimental import pallas as pl
from jax.experimental.pallas import tpu as pltpu
from jax.experimental.pallas import tpu_sc as plsc

N_PTS = 10000
H = 32
C = 128
OUT = 128
KP = 15
KPP = 16
SIGMA = 0.1
E = N_PTS * H


_NC = 2
_NS = 16
_NW = _NC * _NS
_EPW = E // _NW
_CHUNK = 80
_NCHUNK = _EPW // _CHUNK


def _sc_gather_body(coords_hbm, feats_hbm, idx_hbm, spt_out, nf_out,
                    idx_all, sp0, sp1, spt0, spt1, nf0, nf1,
                    semc0, semc1, semf0, semf1,
                    semos0, semos1, semon0, semon1):
    wid = lax.axis_index("s") * _NC + lax.axis_index("c")
    wbase = wid * _EPW
    lane = lax.iota(jnp.int32, 16)
    sp = [sp0, sp1]
    spt = [spt0, spt1]
    nf = [nf0, nf1]
    semc = [semc0, semc1]
    semf = [semf0, semf1]
    semos = [semos0, semos1]
    semon = [semon0, semon1]

    pltpu.sync_copy(idx_hbm.at[pl.ds(wbase, _EPW)], idx_all)

    def idxs(j):
        return idx_all.at[pl.ds(j * _CHUNK, _CHUNK)]

    def fire(j, b):
        pltpu.async_copy(coords_hbm.at[idxs(j)], sp[b], semc[b])
        pltpu.async_copy(feats_hbm.at[idxs(j)], nf[b], semf[b])

    def wait_gather(j, b):
        pltpu.make_async_copy(coords_hbm.at[idxs(j)], sp[b], semc[b]).wait()
        pltpu.make_async_copy(feats_hbm.at[idxs(j)], nf[b], semf[b]).wait()

    def process(j, b):
        base = wbase + j * _CHUNK
        for c in range(3):
            ccol = jnp.full((16,), c, jnp.int32)
            for g in range(_CHUNK // 16):
                v = plsc.load_gather(sp[b], [lane + g * 16, ccol])
                spt[b][c, pl.ds(g * 16, 16)] = v
        pltpu.async_copy(spt[b], spt_out.at[:, pl.ds(base, _CHUNK)], semos[b])
        pltpu.async_copy(nf[b], nf_out.at[pl.ds(base, _CHUNK)], semon[b])

    def wait_out(j, b):
        base = wbase + j * _CHUNK
        pltpu.make_async_copy(
            spt[b], spt_out.at[:, pl.ds(base, _CHUNK)], semos[b]).wait()
        pltpu.make_async_copy(
            nf[b], nf_out.at[pl.ds(base, _CHUNK)], semon[b]).wait()

    fire(0, 0)

    def outer(j2, carry):
        for t in range(2):
            j = j2 * 2 + t
            b = t
            bn = 1 - t

            @pl.when(j >= 1)
            def _():
                wait_out(j - 1, bn)

            fire(j + 1, bn)
            wait_gather(j, b)
            process(j, b)
        return carry

    lax.fori_loop(0, (_NCHUNK - 1) // 2, outer, 0)
    wait_out(_NCHUNK - 2, 1)
    wait_gather(_NCHUNK - 1, 0)
    process(_NCHUNK - 1, 0)
    wait_out(_NCHUNK - 1, 0)


@functools.lru_cache(maxsize=1)
def _make_sc_gather():
    return functools.partial(
        pl.kernel,
        mesh=plsc.VectorSubcoreMesh(core_axis_name="c", subcore_axis_name="s"),
        out_type=[
            jax.ShapeDtypeStruct((8, E), jnp.float32),
            jax.ShapeDtypeStruct((E, C), jnp.float32),
        ],
        scratch_types=[
            pltpu.VMEM((_EPW,), jnp.int32),
            pltpu.VMEM((_CHUNK, 16), jnp.float32),
            pltpu.VMEM((_CHUNK, 16), jnp.float32),
            pltpu.VMEM((8, _CHUNK), jnp.float32),
            pltpu.VMEM((8, _CHUNK), jnp.float32),
            pltpu.VMEM((_CHUNK, C), jnp.float32),
            pltpu.VMEM((_CHUNK, C), jnp.float32),
            pltpu.SemaphoreType.DMA,
            pltpu.SemaphoreType.DMA,
            pltpu.SemaphoreType.DMA,
            pltpu.SemaphoreType.DMA,
            pltpu.SemaphoreType.DMA,
            pltpu.SemaphoreType.DMA,
            pltpu.SemaphoreType.DMA,
            pltpu.SemaphoreType.DMA,
        ],
        compiler_params=pltpu.CompilerParams(
            use_tc_tiling_on_sc=False, needs_layout_passes=False),
    )(_sc_gather_body)


_NB = 400
_EB = _NB * H
_SUB = 8
_ESUB = _SUB * H
_NSUB = _NB // _SUB


def _tc_body(spt_ref, qet_ref, nfg_ref, kpc_ref, w_ref, out_ref,
             acc_ref, p_ref):
    rq = lax.broadcasted_iota(jnp.int32, (_SUB * KPP, _ESUB), 0) // KPP
    cq = lax.broadcasted_iota(jnp.int32, (_SUB * KPP, _ESUB), 1) // H
    blockmask = rq == cq
    p_ref[...] = spt_ref[...] - qet_ref[...]
    kcb = [jnp.broadcast_to(kpc_ref[:, c:c + 1], (KPP, _ESUB))
           for c in range(3)]

    def sub(j2, carry):
        e00 = pl.multiple_of(j2 * 2 * _ESUB, 2 * _ESUB)
        halves = []
        for t in range(2):
            e0 = e00 + t * _ESUB
            sq = jnp.zeros((KPP, _ESUB), jnp.float32)
            for c in range(3):
                row = p_ref[c, pl.ds(e0, _ESUB)].reshape(1, _ESUB)
                d = jnp.broadcast_to(row, (KPP, _ESUB)) - kcb[c]
                sq = sq + d * d
            inflT = jnp.maximum(1.0 - jnp.sqrt(sq) / SIGMA, 0.0)
            a = jnp.broadcast_to(inflT[None], (_SUB, KPP, _ESUB))
            a = a.reshape(_SUB * KPP, _ESUB)
            a = jnp.where(blockmask, a, 0.0).astype(jnp.bfloat16)
            nf8 = nfg_ref[pl.ds(e0, _ESUB), :].astype(jnp.bfloat16)
            w8 = jnp.dot(a, nf8, preferred_element_type=jnp.float32)
            halves.append(w8.reshape(_SUB, KPP * C))
        r0 = pl.multiple_of(j2 * 2 * _SUB, 2 * _SUB)
        acc_ref[pl.ds(r0, 2 * _SUB), :] = (
            jnp.concatenate(halves, axis=0).astype(jnp.bfloat16))
        return carry

    lax.fori_loop(0, _NSUB // 2, sub, 0)
    out = jnp.dot(acc_ref[...], w_ref[...], preferred_element_type=jnp.float32)
    out_ref[...] = jnp.where(out >= 0, out, 0.1 * out)


def _tc_compute(spt, qet, nf_g, kpc, wflat):
    return pl.pallas_call(
        _tc_body,
        grid=(N_PTS // _NB,),
        in_specs=[
            pl.BlockSpec((8, _EB), lambda i: (0, i)),
            pl.BlockSpec((8, _EB), lambda i: (0, i)),
            pl.BlockSpec((_EB, C), lambda i: (i, 0)),
            pl.BlockSpec((KPP, 16), lambda i: (0, 0)),
            pl.BlockSpec((KPP * C, OUT), lambda i: (0, 0)),
        ],
        out_specs=pl.BlockSpec((_NB, OUT), lambda i: (i, 0)),
        out_shape=jax.ShapeDtypeStruct((N_PTS, OUT), jnp.float32),
        scratch_shapes=[
            pltpu.VMEM((_NB, KPP * C), jnp.bfloat16),
            pltpu.VMEM((8, _EB), jnp.float32),
        ],
    )(spt, qet, nf_g, kpc, wflat)


def kernel(q_points, s_points, feats, neighbor_indices, kernel_points, weights):
    ni = neighbor_indices.reshape(-1).astype(jnp.int32)
    coords = jnp.pad(s_points, ((0, 0), (0, 13)))
    qet = jnp.zeros((8, E), jnp.float32)
    qet = qet.at[0:3, :].set(jnp.repeat(q_points.T, H, axis=1))
    kpp = jnp.concatenate(
        [kernel_points, jnp.full((1, 3), 1e3, jnp.float32)], axis=0)
    kpc = jnp.pad(kpp, ((0, 0), (0, 13)))
    wflat = jnp.concatenate(
        [weights, jnp.zeros((1, C, OUT), weights.dtype)], axis=0
    ).reshape(KPP * C, OUT).astype(jnp.bfloat16)

    spt, nf_g = _make_sc_gather()(coords, feats, ni)
    return _tc_compute(spt, qet, nf_g, kpc, wflat)

# --- scband reference (transcript-rebuilt; emitter-appended) ---
"""Pipeline reference for scband-kpcnn-old-24764781429493 (READ-ONLY COPY).

The authoritative reference and input builder live on the scoring server;
editing this copy changes nothing except your own understanding.
"""

import jax, jax.numpy as jnp
import numpy as np

N = 10000      # points
H = 32         # neighbors per point
C = 128        # input channels
OUT = 128      # output channels
KP = 15        # kernel points (shell_sizes=[15])
SIGMA = 0.1    # kp influence sigma (first_radius * kp_sigma scale)


def setup_inputs(seed: int = 0) -> dict:
    key = jax.random.key(seed)
    k1, k2, k3, k4, k5, k6 = jax.random.split(key, 6)
    q_points = jax.random.normal(k1, (N, 3), dtype=jnp.float32)
    s_points = jax.random.normal(k2, (N, 3), dtype=jnp.float32)
    feats = jax.random.normal(k3, (N, C), dtype=jnp.float32)
    neighbor_indices = jax.random.randint(k4, (N, H), 0, N)
    # learned params of the KPConv block
    kernel_points = jax.random.normal(k5, (KP, 3), dtype=jnp.float32) * 0.05
    weights = jax.random.normal(k6, (KP, C, OUT), dtype=jnp.float32) / np.sqrt(KP * C)
    return {
        "q_points": q_points,
        "s_points": s_points,
        "feats": feats,
        "neighbor_indices": neighbor_indices,
        "kernel_points": kernel_points,
        "weights": weights,
    }


def reference(q_points, s_points, feats, neighbor_indices, kernel_points, weights):
    # KPConv block forward: the core message-passing op inside KPCNN encoder blocks.
    # 1. gather neighbor coordinates and center on query points
    neighb_p = s_points[neighbor_indices] - q_points[:, None, :]          # [N, H, 3]
    # 2. kernel point influence weights (linear influence mode)
    diffs = neighb_p[:, :, None, :] - kernel_points[None, None, :, :]     # [N, H, KP, 3]
    sq_dist = jnp.sum(diffs * diffs, axis=-1)                             # [N, H, KP]
    infl = jnp.maximum(1.0 - jnp.sqrt(sq_dist) / SIGMA, 0.0)              # [N, H, KP]
    # 3. gather neighbor features
    neighb_f = feats[neighbor_indices]                                    # [N, H, C]
    # 4. apply influence weights (sum aggregation over neighbors)
    weighted = jnp.einsum('nhk,nhc->nkc', infl, neighb_f)                 # [N, KP, C]
    # 5. apply kernel-point weight matrices
    out = jnp.einsum('nkc,kcd->nd', weighted, weights)                    # [N, OUT]
    # leaky relu activation as in KPConvBlock
    return jax.nn.leaky_relu(out, 0.1)

if __name__ == "__main__":
    import jax
    _d = setup_inputs()
    print(jax.jit(kernel)(*tuple(_d.values())))

</pallas_src>

<mosaic_0001>
#map = affine_map<(d0, d1) -> (0, 0)>
#map1 = affine_map<(d0, d1) -> (0)>
module attributes {stable_mosaic.version = 14 : i64} {
  func.func @_sc_gather_body(%arg0: i32, %arg1: i32, %arg2: memref<10000x16xf32, #tpu.memory_space<hbm>>, %arg3: memref<10000x128xf32, #tpu.memory_space<hbm>>, %arg4: memref<320000xi32, #tpu.memory_space<hbm>>, %arg5: memref<8x320000xf32, #tpu.memory_space<hbm>>, %arg6: memref<320000x128xf32, #tpu.memory_space<hbm>>, %arg7: memref<10000xi32, #tpu.memory_space<vmem>>, %arg8: memref<80x16xf32, #tpu.memory_space<vmem>>, %arg9: memref<80x16xf32, #tpu.memory_space<vmem>>, %arg10: memref<8x80xf32, #tpu.memory_space<vmem>>, %arg11: memref<8x80xf32, #tpu.memory_space<vmem>>, %arg12: memref<80x128xf32, #tpu.memory_space<vmem>>, %arg13: memref<80x128xf32, #tpu.memory_space<vmem>>, %arg14: memref<!tpu.dma_semaphore, #tpu.memory_space<semaphore_mem>>, %arg15: memref<!tpu.dma_semaphore, #tpu.memory_space<semaphore_mem>>, %arg16: memref<!tpu.dma_semaphore, #tpu.memory_space<semaphore_mem>>, %arg17: memref<!tpu.dma_semaphore, #tpu.memory_space<semaphore_mem>>, %arg18: memref<!tpu.dma_semaphore, #tpu.memory_space<semaphore_mem>>, %arg19: memref<!tpu.dma_semaphore, #tpu.memory_space<semaphore_mem>>, %arg20: memref<!tpu.dma_semaphore, #tpu.memory_space<semaphore_mem>>, %arg21: memref<!tpu.dma_semaphore, #tpu.memory_space<semaphore_mem>>) attributes {dimension_semantics = [#tpu.dimension_semantics<core_parallel>, #tpu.dimension_semantics<subcore_parallel>], iteration_bounds = array<i64: 2, 16>, scalar_prefetch = 0 : i64, scratch_operands = 15 : i64, tpu.core_type = #tpu.core_type<sc_vector_subcore>, window_params = [{transform_indices = #map}, {transform_indices = #map}, {transform_indices = #map1}, {transform_indices = #map}, {transform_indices = #map}]} {
    %mul3A = arith.constant 2 : i32
    %mul3A_0 = arith.muli %arg1, %mul3A : i32
    %add3A = arith.addi %mul3A_0, %arg0 : i32
    %mul3A_1 = arith.constant 10000 : i32
    %mul3A_2 = arith.muli %add3A, %mul3A_1 : i32
    %iota3A = tpu.iota {dimensions = array<i32: 0>} : vector<16xi32>
    "tpu.region"() ({
      %run_scoped3A = tpu.sem_alloc : memref<!tpu.dma_semaphore, #tpu.memory_space<semaphore_mem>>
      %dma_start3A_179 = tpu.memref_slice %arg4[%mul3A_2] : memref<320000xi32, #tpu.memory_space<hbm>> -> memref<10000xi32, #tpu.memory_space<hbm>>
      %dma_start3A_180 = tpu.memref_slice %arg4[%mul3A_2] : memref<320000xi32, #tpu.memory_space<hbm>> -> memref<10000xi32, #tpu.memory_space<hbm>>
      tpu.enqueue_dma source(%dma_start3A_180 : memref<10000xi32, #tpu.memory_space<hbm>>) target(%arg7 : memref<10000xi32, #tpu.memory_space<vmem>>) target_semaphore(%run_scoped3A : memref<!tpu.dma_semaphore, #tpu.memory_space<semaphore_mem>>)
      %dma_wait3A_181 = tpu.memref_slice %arg4[%mul3A_2] : memref<320000xi32, #tpu.memory_space<hbm>> -> memref<10000xi32, #tpu.memory_space<hbm>>
      %dma_wait3A_182 = tpu.memref_slice %arg4[%mul3A_2] : memref<320000xi32, #tpu.memory_space<hbm>> -> memref<10000xi32, #tpu.memory_space<hbm>>
      tpu.wait_dma2 semaphore(%run_scoped3A : memref<!tpu.dma_semaphore, #tpu.memory_space<semaphore_mem>>) src(%dma_wait3A_182 : memref<10000xi32, #tpu.memory_space<hbm>>) dst(%arg7 : memref<10000xi32, #tpu.memory_space<vmem>>)
      tpu.yield
    }) : () -> ()
    %dma_start3A = arith.constant 0 : i32
    %dma_start3A_3 = tpu.memref_slice %arg7[%dma_start3A] : memref<10000xi32, #tpu.memory_space<vmem>> -> memref<80xi32, #tpu.memory_space<vmem>>
    %dma_start3A_4 = arith.constant 0 : i32
    %dma_start3A_5 = arith.constant 0 : i32
    %dma_start3A_6 = tpu.memref_slice %arg2[%dma_start3A_4, %dma_start3A_5] : memref<10000x16xf32, #tpu.memory_space<hbm>> -> memref<10000x16xf32, #tpu.memory_space<hbm>>
    tpu.enqueue_indirect_dma source(%dma_start3A_6 : memref<10000x16xf32, #tpu.memory_space<hbm>>) target(%arg8 : memref<80x16xf32, #tpu.memory_space<vmem>>) offsets(%dma_start3A_3 : memref<80xi32, #tpu.memory_space<vmem>>) semaphore(%arg14 : memref<!tpu.dma_semaphore, #tpu.memory_space<semaphore_mem>>)
    %dma_start3A_7 = arith.constant 0 : i32
    %dma_start3A_8 = tpu.memref_slice %arg7[%dma_start3A_7] : memref<10000xi32, #tpu.memory_space<vmem>> -> memref<80xi32, #tpu.memory_space<vmem>>
    %dma_start3A_9 = arith.constant 0 : i32
    %dma_start3A_10 = arith.constant 0 : i32
    %dma_start3A_11 = tpu.memref_slice %arg3[%dma_start3A_9, %dma_start3A_10] : memref<10000x128xf32, #tpu.memory_space<hbm>> -> memref<10000x128xf32, #tpu.memory_space<hbm>>
    tpu.enqueue_indirect_dma source(%dma_start3A_11 : memref<10000x128xf32, #tpu.memory_space<hbm>>) target(%arg12 : memref<80x128xf32, #tpu.memory_space<vmem>>) offsets(%dma_start3A_8 : memref<80xi32, #tpu.memory_space<vmem>>) semaphore(%arg16 : memref<!tpu.dma_semaphore, #tpu.memory_space<semaphore_mem>>)
    %scan3A = arith.constant 0 : i32
    %scan3A_12 = arith.constant 0 : i32
    %scan3A_13 = arith.constant 62 : i32
    %scan3A_14 = arith.addi %scan3A_12, %scan3A_13 : i32
    %scan3A_15 = arith.constant 1 : i32
    scf.for %scan3A_179 = %scan3A_12 to %scan3A_14 step %scan3A_15  : i32 {
      %mul3A_180 = arith.constant 2 : i32
      %mul3A_181 = arith.muli %scan3A_179, %mul3A_180 : i32
      %add3A_182 = arith.constant 0 : i32
      %add3A_183 = arith.addi %mul3A_181, %add3A_182 : i32
      %ge3A = arith.constant 1 : i32
      %ge3A_184 = arith.cmpi sge, %add3A_183, %ge3A : i32
      %convert_element_type3A = arith.extui %ge3A_184 : i1 to i32
      %cond3A = arith.constant 0 : i32
      %cond3A_185 = arith.cmpi ne, %convert_element_type3A, %cond3A : i32
      scf.if %cond3A_185 {
        %sub3A = arith.constant 1 : i32
        %sub3A_521 = arith.subi %add3A_183, %sub3A : i32
        %mul3A_522 = arith.constant 80 : i32
        %mul3A_523 = arith.muli %sub3A_521, %mul3A_522 : i32
        %add3A_524 = arith.addi %mul3A_2, %mul3A_523 : i32
        %dma_wait3A_525 = arith.constant 0 : i32
        %dma_wait3A_526 = tpu.memref_slice %arg5[%dma_wait3A_525, %add3A_524] : memref<8x320000xf32, #tpu.memory_space<hbm>> -> memref<8x80xf32, #tpu.memory_space<hbm>>
        %dma_wait3A_527 = arith.constant 0 : i32
        %dma_wait3A_528 = tpu.memref_slice %arg5[%dma_wait3A_527, %add3A_524] : memref<8x320000xf32, #tpu.memory_space<hbm>> -> memref<8x80xf32, #tpu.memory_space<hbm>>
        tpu.wait_dma2 semaphore(%arg19 : memref<!tpu.dma_semaphore, #tpu.memory_space<semaphore_mem>>) src(%arg11 : memref<8x80xf32, #tpu.memory_space<vmem>>) dst(%dma_wait3A_528 : memref<8x80xf32, #tpu.memory_space<hbm>>)
        %dma_wait3A_529 = arith.constant 0 : i32
        %dma_wait3A_530 = tpu.memref_slice %arg6[%add3A_524, %dma_wait3A_529] : memref<320000x128xf32, #tpu.memory_space<hbm>> -> memref<80x128xf32, #tpu.memory_space<hbm>>
        %dma_wait3A_531 = arith.constant 0 : i32
        %dma_wait3A_532 = tpu.memref_slice %arg6[%add3A_524, %dma_wait3A_531] : memref<320000x128xf32, #tpu.memory_space<hbm>> -> memref<80x128xf32, #tpu.memory_space<hbm>>
        tpu.wait_dma2 semaphore(%arg21 : memref<!tpu.dma_semaphore, #tpu.memory_space<semaphore_mem>>) src(%arg13 : memref<80x128xf32, #tpu.memory_space<vmem>>) dst(%dma_wait3A_532 : memref<80x128xf32, #tpu.memory_space<hbm>>)
      } else {
      }
      %add3A_186 = arith.constant 1 : i32
      %add3A_187 = arith.addi %add3A_183, %add3A_186 : i32
      %mul3A_188 = arith.constant 80 : i32
      %mul3A_189 = arith.muli %add3A_187, %mul3A_188 : i32
      %dma_start3A_190 = tpu.memref_slice %arg7[%mul3A_189] : memref<10000xi32, #tpu.memory_space<vmem>> -> memref<80xi32, #tpu.memory_space<vmem>>
      %dma_start3A_191 = arith.constant 0 : i32
      %dma_start3A_192 = arith.constant 0 : i32
      %dma_start3A_193 = tpu.memref_slice %arg2[%dma_start3A_191, %dma_start3A_192] : memref<10000x16xf32, #tpu.memory_space<hbm>> -> memref<10000x16xf32, #tpu.memory_space<hbm>>
      tpu.enqueue_indirect_dma source(%dma_start3A_193 : memref<10000x16xf32, #tpu.memory_space<hbm>>) target(%arg9 : memref<80x16xf32, #tpu.memory_space<vmem>>) offsets(%dma_start3A_190 : memref<80xi32, #tpu.memory_space<vmem>>) semaphore(%arg15 : memref<!tpu.dma_semaphore, #tpu.memory_space<semaphore_mem>>)
      %mul3A_194 = arith.constant 80 : i32
      %mul3A_195 = arith.muli %add3A_187, %mul3A_194 : i32
      %dma_start3A_196 = tpu.memref_slice %arg7[%mul3A_195] : memref<10000xi32, #tpu.memory_space<vmem>> -> memref<80xi32, #tpu.memory_space<vmem>>
      %dma_start3A_197 = arith.constant 0 : i32
      %dma_start3A_198 = arith.constant 0 : i32
      %dma_start3A_199 = tpu.memref_slice %arg3[%dma_start3A_197, %dma_start3A_198] : memref<10000x128xf32, #tpu.memory_space<hbm>> -> memref<10000x128xf32, #tpu.memory_space<hbm>>
      tpu.enqueue_indirect_dma source(%dma_start3A_199 : memref<10000x128xf32, #tpu.memory_space<hbm>>) target(%arg13 : memref<80x128xf32, #tpu.memory_space<vmem>>) offsets(%dma_start3A_196 : memref<80xi32, #tpu.memory_space<vmem>>) semaphore(%arg17 : memref<!tpu.dma_semaphore, #tpu.memory_space<semaphore_mem>>)
      %mul3A_200 = arith.constant 80 : i32
      %mul3A_201 = arith.muli %add3A_183, %mul3A_200 : i32
      %dma_wait3A_202 = tpu.memref_slice %arg7[%mul3A_201] : memref<10000xi32, #tpu.memory_space<vmem>> -> memref<80xi32, #tpu.memory_space<vmem>>
      %dma_wait3A_203 = arith.constant 0 : i32
      %dma_wait3A_204 = arith.constant 0 : i32
      %dma_wait3A_205 = tpu.memref_slice %arg2[%dma_wait3A_203, %dma_wait3A_204] : memref<10000x16xf32, #tpu.memory_space<hbm>> -> memref<10000x16xf32, #tpu.memory_space<hbm>>
      tpu.wait_indirect_dma semaphore(%arg14 : memref<!tpu.dma_semaphore, #tpu.memory_space<semaphore_mem>>) src(%dma_wait3A_205 : memref<10000x16xf32, #tpu.memory_space<hbm>>) dst(%arg8 : memref<80x16xf32, #tpu.memory_space<vmem>>)
      %mul3A_206 = arith.constant 80 : i32
      %mul3A_207 = arith.muli %add3A_183, %mul3A_206 : i32
      %dma_wait3A_208 = tpu.memref_slice %arg7[%mul3A_207] : memref<10000xi32, #tpu.memory_space<vmem>> -> memref<80xi32, #tpu.memory_space<vmem>>
      %dma_wait3A_209 = arith.constant 0 : i32
      %dma_wait3A_210 = arith.constant 0 : i32
      %dma_wait3A_211 = tpu.memref_slice %arg3[%dma_wait3A_209, %dma_wait3A_210] : memref<10000x128xf32, #tpu.memory_space<hbm>> -> memref<10000x128xf32, #tpu.memory_space<hbm>>
      tpu.wait_indirect_dma semaphore(%arg16 : memref<!tpu.dma_semaphore, #tpu.memory_space<semaphore_mem>>) src(%dma_wait3A_211 : memref<10000x128xf32, #tpu.memory_space<hbm>>) dst(%arg12 : memref<80x128xf32, #tpu.memory_space<vmem>>)
      %mul3A_212 = arith.constant 80 : i32
      %mul3A_213 = arith.muli %add3A_183, %mul3A_212 : i32
      %add3A_214 = arith.addi %mul3A_2, %mul3A_213 : i32
      %broadcast_in_dim3A_215 = arith.constant 0 : i32
      %broadcast_in_dim3A_216 = vector.broadcast %broadcast_in_dim3A_215 : i32 to vector<16xi32>
      %add3A_217 = arith.constant 0 : i32
      %add3A_218 = vector.broadcast %add3A_217 : i32 to vector<16xi32>
      %add3A_219 = arith.addi %iota3A, %add3A_218 : vector<16xi32>
      %gather3A_220 = tpu.vector_load_idx %arg8[%add3A_219, %broadcast_in_dim3A_216] : memref<80x16xf32, #tpu.memory_space<vmem>>[vector<16xi32>, vector<16xi32>], vector<16xf32>,
      %swap3A_221 = arith.constant 0 : i32
      %swap3A_222 = arith.index_cast %swap3A_221 : i32 to index
      %swap3A_223 = arith.constant 0 : index
      %swap3A_224 = tpu.vector_load %arg10[%swap3A_222, %swap3A_223] {strides = array<i32>} : memref<8x80xf32, #tpu.memory_space<vmem>>, vector<16xf32>,
      tpu.vector_store %arg10[%swap3A_222, %swap3A_223], %gather3A_220 {strides = array<i32>} : memref<8x80xf32, #tpu.memory_space<vmem>>, vector<16xf32>,
      %add3A_225 = arith.constant 16 : i32
      %add3A_226 = vector.broadcast %add3A_225 : i32 to vector<16xi32>
      %add3A_227 = arith.addi %iota3A, %add3A_226 : vector<16xi32>
      %gather3A_228 = tpu.vector_load_idx %arg8[%add3A_227, %broadcast_in_dim3A_216] : memref<80x16xf32, #tpu.memory_space<vmem>>[vector<16xi32>, vector<16xi32>], vector<16xf32>,
      %swap3A_229 = arith.constant 0 : i32
      %swap3A_230 = arith.index_cast %swap3A_229 : i32 to index
      %swap3A_231 = arith.constant 16 : index
      %swap3A_232 = tpu.vector_load %arg10[%swap3A_230, %swap3A_231] {strides = array<i32>} : memref<8x80xf32, #tpu.memory_space<vmem>>, vector<16xf32>,
      tpu.vector_store %arg10[%swap3A_230, %swap3A_231], %gather3A_228 {strides = array<i32>} : memref<8x80xf32, #tpu.memory_space<vmem>>, vector<16xf32>,
      %add3A_233 = arith.constant 32 : i32
      %add3A_234 = vector.broadcast %add3A_233 : i32 to vector<16xi32>
      %add3A_235 = arith.addi %iota3A, %add3A_234 : vector<16xi32>
      %gather3A_236 = tpu.vector_load_idx %arg8[%add3A_235, %broadcast_in_dim3A_216] : memref<80x16xf32, #tpu.memory_space<vmem>>[vector<16xi32>, vector<16xi32>], vector<16xf32>,
      %swap3A_237 = arith.constant 0 : i32
      %swap3A_238 = arith.index_cast %swap3A_237 : i32 to index
      %swap3A_239 = arith.constant 32 : index
      %swap3A_240 = tpu.vector_load %arg10[%swap3A_238, %swap3A_239] {strides = array<i32>} : memref<8x80xf32, #tpu.memory_space<vmem>>, vector<16xf32>,
      tpu.vector_store %arg10[%swap3A_238, %swap3A_239], %gather3A_236 {strides = array<i32>} : memref<8x80xf32, #tpu.memory_space<vmem>>, vector<16xf32>,
      %add3A_241 = arith.constant 48 : i32
      %add3A_242 = vector.broadcast %add3A_241 : i32 to vector<16xi32>
      %add3A_243 = arith.addi %iota3A, %add3A_242 : vector<16xi32>
      %gather3A_244 = tpu.vector_load_idx %arg8[%add3A_243, %broadcast_in_dim3A_216] : memref<80x16xf32, #tpu.memory_space<vmem>>[vector<16xi32>, vector<16xi32>], vector<16xf32>,
      %swap3A_245 = arith.constant 0 : i32
      %swap3A_246 = arith.index_cast %swap3A_245 : i32 to index
      %swap3A_247 = arith.constant 48 : index
      %swap3A_248 = tpu.vector_load %arg10[%swap3A_246, %swap3A_247] {strides = array<i32>} : memref<8x80xf32, #tpu.memory_space<vmem>>, vector<16xf32>,
      tpu.vector_store %arg10[%swap3A_246, %swap3A_247], %gather3A_244 {strides = array<i32>} : memref<8x80xf32, #tpu.memory_space<vmem>>, vector<16xf32>,
      %add3A_249 = arith.constant 64 : i32
      %add3A_250 = vector.broadcast %add3A_249 : i32 to vector<16xi32>
      %add3A_251 = arith.addi %iota3A, %add3A_250 : vector<16xi32>
      %gather3A_252 = tpu.vector_load_idx %arg8[%add3A_251, %broadcast_in_dim3A_216] : memref<80x16xf32, #tpu.memory_space<vmem>>[vector<16xi32>, vector<16xi32>], vector<16xf32>,
      %swap3A_253 = arith.constant 0 : i32
      %swap3A_254 = arith.index_cast %swap3A_253 : i32 to index
      %swap3A_255 = arith.constant 64 : index
      %swap3A_256 = tpu.vector_load %arg10[%swap3A_254, %swap3A_255] {strides = array<i32>} : memref<8x80xf32, #tpu.memory_space<vmem>>, vector<16xf32>,
      tpu.vector_store %arg10[%swap3A_254, %swap3A_255], %gather3A_252 {strides = array<i32>} : memref<8x80xf32, #tpu.memory_space<vmem>>, vector<16xf32>,
      %broadcast_in_dim3A_257 = arith.constant 1 : i32
      %broadcast_in_dim3A_258 = vector.broadcast %broadcast_in_dim3A_257 : i32 to vector<16xi32>
      %add3A_259 = arith.constant 0 : i32
      %add3A_260 = vector.broadcast %add3A_259 : i32 to vector<16xi32>
      %add3A_261 = arith.addi %iota3A, %add3A_260 : vector<16xi32>
      %gather3A_262 = tpu.vector_load_idx %arg8[%add3A_261, %broadcast_in_dim3A_258] : memref<80x16xf32, #tpu.memory_space<vmem>>[vector<16xi32>, vector<16xi32>], vector<16xf32>,
      %swap3A_263 = arith.constant 1 : i32
      %swap3A_264 = arith.index_cast %swap3A_263 : i32 to index
      %swap3A_265 = arith.constant 0 : index
      %swap3A_266 = tpu.vector_load %arg10[%swap3A_264, %swap3A_265] {strides = array<i32>} : memref<8x80xf32, #tpu.memory_space<vmem>>, vector<16xf32>,
      tpu.vector_store %arg10[%swap3A_264, %swap3A_265], %gather3A_262 {strides = array<i32>} : memref<8x80xf32, #tpu.memory_space<vmem>>, vector<16xf32>,
      %add3A_267 = arith.constant 16 : i32
      %add3A_268 = vector.broadcast %add3A_267 : i32 to vector<16xi32>
      %add3A_269 = arith.addi %iota3A, %add3A_268 : vector<16xi32>
      %gather3A_270 = tpu.vector_load_idx %arg8[%add3A_269, %broadcast_in_dim3A_258] : memref<80x16xf32, #tpu.memory_space<vmem>>[vector<16xi32>, vector<16xi32>], vector<16xf32>,
      %swap3A_271 = arith.constant 1 : i32
      %swap3A_272 = arith.index_cast %swap3A_271 : i32 to index
      %swap3A_273 = arith.constant 16 : index
      %swap3A_274 = tpu.vector_load %arg10[%swap3A_272, %swap3A_273] {strides = array<i32>} : memref<8x80xf32, #tpu.memory_space<vmem>>, vector<16xf32>,
      tpu.vector_store %arg10[%swap3A_272, %swap3A_273], %gather3A_270 {strides = array<i32>} : memref<8x80xf32, #tpu.memory_space<vmem>>, vector<16xf32>,
      %add3A_275 = arith.constant 32 : i32
      %add3A_276 = vector.broadcast %add3A_275 : i32 to vector<16xi32>
      %add3A_277 = arith.addi %iota3A, %add3A_276 : vector<16xi32>
      %gather3A_278 = tpu.vector_load_idx %arg8[%add3A_277, %broadcast_in_dim3A_258] : memref<80x16xf32, #tpu.memory_space<vmem>>[vector<16xi32>, vector<16xi32>], vector<16xf32>,
      %swap3A_279 = arith.constant 1 : i32
      %swap3A_280 = arith.index_cast %swap3A_279 : i32 to index
      %swap3A_281 = arith.constant 32 : index
      %swap3A_282 = tpu.vector_load %arg10[%swap3A_280, %swap3A_281] {strides = array<i32>} : memref<8x80xf32, #tpu.memory_space<vmem>>, vector<16xf32>,
      tpu.vector_store %arg10[%swap3A_280, %swap3A_281], %gather3A_278 {strides = array<i32>} : memref<8x80xf32, #tpu.memory_space<vmem>>, vector<16xf32>,
      %add3A_283 = arith.constant 48 : i32
      %add3A_284 = vector.broadcast %add3A_283 : i32 to vector<16xi32>
      %add3A_285 = arith.addi %iota3A, %add3A_284 : vector<16xi32>
      %gather3A_286 = tpu.vector_load_idx %arg8[%add3A_285, %broadcast_in_dim3A_258] : memref<80x16xf32, #tpu.memory_space<vmem>>[vector<16xi32>, vector<16xi32>], vector<16xf32>,
      %swap3A_287 = arith.constant 1 : i32
      %swap3A_288 = arith.index_cast %swap3A_287 : i32 to index
      %swap3A_289 = arith.constant 48 : index
      %swap3A_290 = tpu.vector_load %arg10[%swap3A_288, %swap3A_289] {strides = array<i32>} : memref<8x80xf32, #tpu.memory_space<vmem>>, vector<16xf32>,
      tpu.vector_store %arg10[%swap3A_288, %swap3A_289], %gather3A_286 {strides = array<i32>} : memref<8x80xf32, #tpu.memory_space<vmem>>, vector<16xf32>,
      %add3A_291 = arith.constant 64 : i32
      %add3A_292 = vector.broadcast %add3A_291 : i32 to vector<16xi32>
      %add3A_293 = arith.addi %iota3A, %add3A_292 : vector<16xi32>
      %gather3A_294 = tpu.vector_load_idx %arg8[%add3A_293, %broadcast_in_dim3A_258] : memref<80x16xf32, #tpu.memory_space<vmem>>[vector<16xi32>, vector<16xi32>], vector<16xf32>,
      %swap3A_295 = arith.constant 1 : i32
      %swap3A_296 = arith.index_cast %swap3A_295 : i32 to index
      %swap3A_297 = arith.constant 64 : index
      %swap3A_298 = tpu.vector_load %arg10[%swap3A_296, %swap3A_297] {strides = array<i32>} : memref<8x80xf32, #tpu.memory_space<vmem>>, vector<16xf32>,
      tpu.vector_store %arg10[%swap3A_296, %swap3A_297], %gather3A_294 {strides = array<i32>} : memref<8x80xf32, #tpu.memory_space<vmem>>, vector<16xf32>,
      %broadcast_in_dim3A_299 = arith.constant 2 : i32
      %broadcast_in_dim3A_300 = vector.broadcast %broadcast_in_dim3A_299 : i32 to vector<16xi32>
      %add3A_301 = arith.constant 0 : i32
      %add3A_302 = vector.broadcast %add3A_301 : i32 to vector<16xi32>
      %add3A_303 = arith.addi %iota3A, %add3A_302 : vector<16xi32>
      %gather3A_304 = tpu.vector_load_idx %arg8[%add3A_303, %broadcast_in_dim3A_300] : memref<80x16xf32, #tpu.memory_space<vmem>>[vector<16xi32>, vector<16xi32>], vector<16xf32>,
      %swap3A_305 = arith.constant 2 : i32
      %swap3A_306 = arith.index_cast %swap3A_305 : i32 to index
      %swap3A_307 = arith.constant 0 : index
      %swap3A_308 = tpu.vector_load %arg10[%swap3A_306, %swap3A_307] {strides = array<i32>} : memref<8x80xf32, #tpu.memory_space<vmem>>, vector<16xf32>,
      tpu.vector_store %arg10[%swap3A_306, %swap3A_307], %gather3A_304 {strides = array<i32>} : memref<8x80xf32, #tpu.memory_space<vmem>>, vector<16xf32>,
      %add3A_309 = arith.constant 16 : i32
      %add3A_310 = vector.broadcast %add3A_309 : i32 to vector<16xi32>
      %add3A_311 = arith.addi %iota3A, %add3A_310 : vector<16xi32>
      %gather3A_312 = tpu.vector_load_idx %arg8[%add3A_311, %broadcast_in_dim3A_300] : memref<80x16xf32, #tpu.memory_space<vmem>>[vector<16xi32>, vector<16xi32>], vector<16xf32>,
      %swap3A_313 = arith.constant 2 : i32
      %swap3A_314 = arith.index_cast %swap3A_313 : i32 to index
      %swap3A_315 = arith.constant 16 : index
      %swap3A_316 = tpu.vector_load %arg10[%swap3A_314, %swap3A_315] {strides = array<i32>} : memref<8x80xf32, #tpu.memory_space<vmem>>, vector<16xf32>,
      tpu.vector_store %arg10[%swap3A_314, %swap3A_315], %gather3A_312 {strides = array<i32>} : memref<8x80xf32, #tpu.memory_space<vmem>>, vector<16xf32>,
      %add3A_317 = arith.constant 32 : i32
      %add3A_318 = vector.broadcast %add3A_317 : i32 to vector<16xi32>
      %add3A_319 = arith.addi %iota3A, %add3A_318 : vector<16xi32>
      %gather3A_320 = tpu.vector_load_idx %arg8[%add3A_319, %broadcast_in_dim3A_300] : memref<80x16xf32, #tpu.memory_space<vmem>>[vector<16xi32>, vector<16xi32>], vector<16xf32>,
      %swap3A_321 = arith.constant 2 : i32
      %swap3A_322 = arith.index_cast %swap3A_321 : i32 to index
      %swap3A_323 = arith.constant 32 : index
      %swap3A_324 = tpu.vector_load %arg10[%swap3A_322, %swap3A_323] {strides = array<i32>} : memref<8x80xf32, #tpu.memory_space<vmem>>, vector<16xf32>,
      tpu.vector_store %arg10[%swap3A_322, %swap3A_323], %gather3A_320 {strides = array<i32>} : memref<8x80xf32, #tpu.memory_space<vmem>>, vector<16xf32>,
      %add3A_325 = arith.constant 48 : i32
      %add3A_326 = vector.broadcast %add3A_325 : i32 to vector<16xi32>
      %add3A_327 = arith.addi %iota3A, %add3A_326 : vector<16xi32>
      %gather3A_328 = tpu.vector_load_idx %arg8[%add3A_327, %broadcast_in_dim3A_300] : memref<80x16xf32, #tpu.memory_space<vmem>>[vector<16xi32>, vector<16xi32>], vector<16xf32>,
      %swap3A_329 = arith.constant 2 : i32
      %swap3A_330 = arith.index_cast %swap3A_329 : i32 to index
      %swap3A_331 = arith.constant 48 : index
      %swap3A_332 = tpu.vector_load %arg10[%swap3A_330, %swap3A_331] {strides = array<i32>} : memref<8x80xf32, #tpu.memory_space<vmem>>, vector<16xf32>,
      tpu.vector_store %arg10[%swap3A_330, %swap3A_331], %gather3A_328 {strides = array<i32>} : memref<8x80xf32, #tpu.memory_space<vmem>>, vector<16xf32>,
      %add3A_333 = arith.constant 64 : i32
      %add3A_334 = vector.broadcast %add3A_333 : i32 to vector<16xi32>
      %add3A_335 = arith.addi %iota3A, %add3A_334 : vector<16xi32>
      %gather3A_336 = tpu.vector_load_idx %arg8[%add3A_335, %broadcast_in_dim3A_300] : memref<80x16xf32, #tpu.memory_space<vmem>>[vector<16xi32>, vector<16xi32>], vector<16xf32>,
      %swap3A_337 = arith.constant 2 : i32
      %swap3A_338 = arith.index_cast %swap3A_337 : i32 to index
      %swap3A_339 = arith.constant 64 : index
      %swap3A_340 = tpu.vector_load %arg10[%swap3A_338, %swap3A_339] {strides = array<i32>} : memref<8x80xf32, #tpu.memory_space<vmem>>, vector<16xf32>,
      tpu.vector_store %arg10[%swap3A_338, %swap3A_339], %gather3A_336 {strides = array<i32>} : memref<8x80xf32, #tpu.memory_space<vmem>>, vector<16xf32>,
      %dma_start3A_341 = arith.constant 0 : i32
      %dma_start3A_342 = tpu.memref_slice %arg5[%dma_start3A_341, %add3A_214] : memref<8x320000xf32, #tpu.memory_space<hbm>> -> memref<8x80xf32, #tpu.memory_space<hbm>>
      %dma_start3A_343 = arith.constant 0 : i32
      %dma_start3A_344 = tpu.memref_slice %arg5[%dma_start3A_343, %add3A_214] : memref<8x320000xf32, #tpu.memory_space<hbm>> -> memref<8x80xf32, #tpu.memory_space<hbm>>
      tpu.enqueue_dma source(%arg10 : memref<8x80xf32, #tpu.memory_space<vmem>>) target(%dma_start3A_344 : memref<8x80xf32, #tpu.memory_space<hbm>>) target_semaphore(%arg18 : memref<!tpu.dma_semaphore, #tpu.memory_space<semaphore_mem>>)
      %dma_start3A_345 = arith.constant 0 : i32
      %dma_start3A_346 = tpu.memref_slice %arg6[%add3A_214, %dma_start3A_345] : memref<320000x128xf32, #tpu.memory_space<hbm>> -> memref<80x128xf32, #tpu.memory_space<hbm>>
      %dma_start3A_347 = arith.constant 0 : i32
      %dma_start3A_348 = tpu.memref_slice %arg6[%add3A_214, %dma_start3A_347] : memref<320000x128xf32, #tpu.memory_space<hbm>> -> memref<80x128xf32, #tpu.memory_space<hbm>>
      tpu.enqueue_dma source(%arg12 : memref<80x128xf32, #tpu.memory_space<vmem>>) target(%dma_start3A_348 : memref<80x128xf32, #tpu.memory_space<hbm>>) target_semaphore(%arg20 : memref<!tpu.dma_semaphore, #tpu.memory_space<semaphore_mem>>)
      %mul3A_349 = arith.constant 2 : i32
      %mul3A_350 = arith.muli %scan3A_179, %mul3A_349 : i32
      %add3A_351 = arith.constant 1 : i32
      %add3A_352 = arith.addi %mul3A_350, %add3A_351 : i32
      %ge3A_353 = arith.constant 1 : i32
      %ge3A_354 = arith.cmpi sge, %add3A_352, %ge3A_353 : i32
      %convert_element_type3A_355 = arith.extui %ge3A_354 : i1 to i32
      %cond3A_356 = arith.constant 0 : i32
      %cond3A_357 = arith.cmpi ne, %convert_element_type3A_355, %cond3A_356 : i32
      scf.if %cond3A_357 {
        %sub3A = arith.constant 1 : i32
        %sub3A_521 = arith.subi %add3A_352, %sub3A : i32
        %mul3A_522 = arith.constant 80 : i32
        %mul3A_523 = arith.muli %sub3A_521, %mul3A_522 : i32
        %add3A_524 = arith.addi %mul3A_2, %mul3A_523 : i32
        %dma_wait3A_525 = arith.constant 0 : i32
        %dma_wait3A_526 = tpu.memref_slice %arg5[%dma_wait3A_525, %add3A_524] : memref<8x320000xf32, #tpu.memory_space<hbm>> -> memref<8x80xf32, #tpu.memory_space<hbm>>
        %dma_wait3A_527 = arith.constant 0 : i32
        %dma_wait3A_528 = tpu.memref_slice %arg5[%dma_wait3A_527, %add3A_524] : memref<8x320000xf32, #tpu.memory_space<hbm>> -> memref<8x80xf32, #tpu.memory_space<hbm>>
        tpu.wait_dma2 semaphore(%arg18 : memref<!tpu.dma_semaphore, #tpu.memory_space<semaphore_mem>>) src(%arg10 : memref<8x80xf32, #tpu.memory_space<vmem>>) dst(%dma_wait3A_528 : memref<8x80xf32, #tpu.memory_space<hbm>>)
        %dma_wait3A_529 = arith.constant 0 : i32
        %dma_wait3A_530 = tpu.memref_slice %arg6[%add3A_524, %dma_wait3A_529] : memref<320000x128xf32, #tpu.memory_space<hbm>> -> memref<80x128xf32, #tpu.memory_space<hbm>>
        %dma_wait3A_531 = arith.constant 0 : i32
        %dma_wait3A_532 = tpu.memref_slice %arg6[%add3A_524, %dma_wait3A_531] : memref<320000x128xf32, #tpu.memory_space<hbm>> -> memref<80x128xf32, #tpu.memory_space<hbm>>
        tpu.wait_dma2 semaphore(%arg20 : memref<!tpu.dma_semaphore, #tpu.memory_space<semaphore_mem>>) src(%arg12 : memref<80x128xf32, #tpu.memory_space<vmem>>) dst(%dma_wait3A_532 : memref<80x128xf32, #tpu.memory_space<hbm>>)
      } else {
      }
      %add3A_358 = arith.constant 1 : i32
      %add3A_359 = arith.addi %add3A_352, %add3A_358 : i32
      %mul3A_360 = arith.constant 80 : i32
      %mul3A_361 = arith.muli %add3A_359, %mul3A_360 : i32
      %dma_start3A_362 = tpu.memref_slice %arg7[%mul3A_361] : memref<10000xi32, #tpu.memory_space<vmem>> -> memref<80xi32, #tpu.memory_space<vmem>>
      %dma_start3A_363 = arith.constant 0 : i32
      %dma_start3A_364 = arith.constant 0 : i32
      %dma_start3A_365 = tpu.memref_slice %arg2[%dma_start3A_363, %dma_start3A_364] : memref<10000x16xf32, #tpu.memory_space<hbm>> -> memref<10000x16xf32, #tpu.memory_space<hbm>>
      tpu.enqueue_indirect_dma source(%dma_start3A_365 : memref<10000x16xf32, #tpu.memory_space<hbm>>) target(%arg8 : memref<80x16xf32, #tpu.memory_space<vmem>>) offsets(%dma_start3A_362 : memref<80xi32, #tpu.memory_space<vmem>>) semaphore(%arg14 : memref<!tpu.dma_semaphore, #tpu.memory_space<semaphore_mem>>)
      %mul3A_366 = arith.constant 80 : i32
      %mul3A_367 = arith.muli %add3A_359, %mul3A_366 : i32
      %dma_start3A_368 = tpu.memref_slice %arg7[%mul3A_367] : memref<10000xi32, #tpu.memory_space<vmem>> -> memref<80xi32, #tpu.memory_space<vmem>>
      %dma_start3A_369 = arith.constant 0 : i32
      %dma_start3A_370 = arith.constant 0 : i32
      %dma_start3A_371 = tpu.memref_slice %arg3[%dma_start3A_369, %dma_start3A_370] : memref<10000x128xf32, #tpu.memory_space<hbm>> -> memref<10000x128xf32, #tpu.memory_space<hbm>>
      tpu.enqueue_indirect_dma source(%dma_start3A_371 : memref<10000x128xf32, #tpu.memory_space<hbm>>) target(%arg12 : memref<80x128xf32, #tpu.memory_space<vmem>>) offsets(%dma_start3A_368 : memref<80xi32, #tpu.memory_space<vmem>>) semaphore(%arg16 : memref<!tpu.dma_semaphore, #tpu.memory_space<semaphore_mem>>)
      %mul3A_372 = arith.constant 80 : i32
      %mul3A_373 = arith.muli %add3A_352, %mul3A_372 : i32
      %dma_wait3A_374 = tpu.memref_slice %arg7[%mul3A_373] : memref<10000xi32, #tpu.memory_space<vmem>> -> memref<80xi32, #tpu.memory_space<vmem>>
      %dma_wait3A_375 = arith.constant 0 : i32
      %dma_wait3A_376 = arith.constant 0 : i32
      %dma_wait3A_377 = tpu.memref_slice %arg2[%dma_wait3A_375, %dma_wait3A_376] : memref<10000x16xf32, #tpu.memory_space<hbm>> -> memref<10000x16xf32, #tpu.memory_space<hbm>>
      tpu.wait_indirect_dma semaphore(%arg15 : memref<!tpu.dma_semaphore, #tpu.memory_space<semaphore_mem>>) src(%dma_wait3A_377 : memref<10000x16xf32, #tpu.memory_space<hbm>>) dst(%arg9 : memref<80x16xf32, #tpu.memory_space<vmem>>)
      %mul3A_378 = arith.constant 80 : i32
      %mul3A_379 = arith.muli %add3A_352, %mul3A_378 : i32
      %dma_wait3A_380 = tpu.memref_slice %arg7[%mul3A_379] : memref<10000xi32, #tpu.memory_space<vmem>> -> memref<80xi32, #tpu.memory_space<vmem>>
      %dma_wait3A_381 = arith.constant 0 : i32
      %dma_wait3A_382 = arith.constant 0 : i32
      %dma_wait3A_383 = tpu.memref_slice %arg3[%dma_wait3A_381, %dma_wait3A_382] : memref<10000x128xf32, #tpu.memory_space<hbm>> -> memref<10000x128xf32, #tpu.memory_space<hbm>>
      tpu.wait_indirect_dma semaphore(%arg17 : memref<!tpu.dma_semaphore, #tpu.memory_space<semaphore_mem>>) src(%dma_wait3A_383 : memref<10000x128xf32, #tpu.memory_space<hbm>>) dst(%arg13 : memref<80x128xf32, #tpu.memory_space<vmem>>)
      %mul3A_384 = arith.constant 80 : i32
      %mul3A_385 = arith.muli %add3A_352, %mul3A_384 : i32
      %add3A_386 = arith.addi %mul3A_2, %mul3A_385 : i32
      %broadcast_in_dim3A_387 = arith.constant 0 : i32
      %broadcast_in_dim3A_388 = vector.broadcast %broadcast_in_dim3A_387 : i32 to vector<16xi32>
      %add3A_389 = arith.constant 0 : i32
      %add3A_390 = vector.broadcast %add3A_389 : i32 to vector<16xi32>
      %add3A_391 = arith.addi %iota3A, %add3A_390 : vector<16xi32>
      %gather3A_392 = tpu.vector_load_idx %arg9[%add3A_391, %broadcast_in_dim3A_388] : memref<80x16xf32, #tpu.memory_space<vmem>>[vector<16xi32>, vector<16xi32>], vector<16xf32>,
      %swap3A_393 = arith.constant 0 : i32
      %swap3A_394 = arith.index_cast %swap3A_393 : i32 to index
      %swap3A_395 = arith.constant 0 : index
      %swap3A_396 = tpu.vector_load %arg11[%swap3A_394, %swap3A_395] {strides = array<i32>} : memref<8x80xf32, #tpu.memory_space<vmem>>, vector<16xf32>,
      tpu.vector_store %arg11[%swap3A_394, %swap3A_395], %gather3A_392 {strides = array<i32>} : memref<8x80xf32, #tpu.memory_space<vmem>>, vector<16xf32>,
      %add3A_397 = arith.constant 16 : i32
      %add3A_398 = vector.broadcast %add3A_397 : i32 to vector<16xi32>
      %add3A_399 = arith.addi %iota3A, %add3A_398 : vector<16xi32>
      %gather3A_400 = tpu.vector_load_idx %arg9[%add3A_399, %broadcast_in_dim3A_388] : memref<80x16xf32, #tpu.memory_space<vmem>>[vector<16xi32>, vector<16xi32>], vector<16xf32>,
      %swap3A_401 = arith.constant 0 : i32
      %swap3A_402 = arith.index_cast %swap3A_401 : i32 to index
      %swap3A_403 = arith.constant 16 : index
      %swap3A_404 = tpu.vector_load %arg11[%swap3A_402, %swap3A_403] {strides = array<i32>} : memref<8x80xf32, #tpu.memory_space<vmem>>, vector<16xf32>,
      tpu.vector_store %arg11[%swap3A_402, %swap3A_403], %gather3A_400 {strides = array<i32>} : memref<8x80xf32, #tpu.memory_space<vmem>>, vector<16xf32>,
      %add3A_405 = arith.constant 32 : i32
      %add3A_406 = vector.broadcast %add3A_405 : i32 to vector<16xi32>
      %add3A_407 = arith.addi %iota3A, %add3A_406 : vector<16xi32>
      %gather3A_408 = tpu.vector_load_idx %arg9[%add3A_407, %broadcast_in_dim3A_388] : memref<80x16xf32, #tpu.memory_space<vmem>>[vector<16xi32>, vector<16xi32>], vector<16xf32>,
      %swap3A_409 = arith.constant 0 : i32
      %swap3A_410 = arith.index_cast %swap3A_409 : i32 to index
      %swap3A_411 = arith.constant 32 : index
      %swap3A_412 = tpu.vector_load %arg11[%swap3A_410, %swap3A_411] {strides = array<i32>} : memref<8x80xf32, #tpu.memory_space<vmem>>, vector<16xf32>,
      tpu.vector_store %arg11[%swap3A_410, %swap3A_411], %gather3A_408 {strides = array<i32>} : memref<8x80xf32, #tpu.memory_space<vmem>>, vector<16xf32>,
      %add3A_413 = arith.constant 48 : i32
      %add3A_414 = vector.broadcast %add3A_413 : i32 to vector<16xi32>
      %add3A_415 = arith.addi %iota3A, %add3A_414 : vector<16xi32>
      %gather3A_416 = tpu.vector_load_idx %arg9[%add3A_415, %broadcast_in_dim3A_388] : memref<80x16xf32, #tpu.memory_space<vmem>>[vector<16xi32>, vector<16xi32>], vector<16xf32>,
      %swap3A_417 = arith.constant 0 : i32
      %swap3A_418 = arith.index_cast %swap3A_417 : i32 to index
      %swap3A_419 = arith.constant 48 : index
      %swap3A_420 = tpu.vector_load %arg11[%swap3A_418, %swap3A_419] {strides = array<i32>} : memref<8x80xf32, #tpu.memory_space<vmem>>, vector<16xf32>,
      tpu.vector_store %arg11[%swap3A_418, %swap3A_419], %gather3A_416 {strides = array<i32>} : memref<8x80xf32, #tpu.memory_space<vmem>>, vector<16xf32>,
      %add3A_421 = arith.constant 64 : i32
      %add3A_422 = vector.broadcast %add3A_421 : i32 to vector<16xi32>
      %add3A_423 = arith.addi %iota3A, %add3A_422 : vector<16xi32>
      %gather3A_424 = tpu.vector_load_idx %arg9[%add3A_423, %broadcast_in_dim3A_388] : memref<80x16xf32, #tpu.memory_space<vmem>>[vector<16xi32>, vector<16xi32>], vector<16xf32>,
      %swap3A_425 = arith.constant 0 : i32
      %swap3A_426 = arith.index_cast %swap3A_425 : i32 to index
      %swap3A_427 = arith.constant 64 : index
      %swap3A_428 = tpu.vector_load %arg11[%swap3A_426, %swap3A_427] {strides = array<i32>} : memref<8x80xf32, #tpu.memory_space<vmem>>, vector<16xf32>,
      tpu.vector_store %arg11[%swap3A_426, %swap3A_427], %gather3A_424 {strides = array<i32>} : memref<8x80xf32, #tpu.memory_space<vmem>>, vector<16xf32>,
      %broadcast_in_dim3A_429 = arith.constant 1 : i32
      %broadcast_in_dim3A_430 = vector.broadcast %broadcast_in_dim3A_429 : i32 to vector<16xi32>
      %add3A_431 = arith.constant 0 : i32
      %add3A_432 = vector.broadcast %add3A_431 : i32 to vector<16xi32>
      %add3A_433 = arith.addi %iota3A, %add3A_432 : vector<16xi32>
      %gather3A_434 = tpu.vector_load_idx %arg9[%add3A_433, %broadcast_in_dim3A_430] : memref<80x16xf32, #tpu.memory_space<vmem>>[vector<16xi32>, vector<16xi32>], vector<16xf32>,
      %swap3A_435 = arith.constant 1 : i32
      %swap3A_436 = arith.index_cast %swap3A_435 : i32 to index
      %swap3A_437 = arith.constant 0 : index
      %swap3A_438 = tpu.vector_load %arg11[%swap3A_436, %swap3A_437] {strides = array<i32>} : memref<8x80xf32, #tpu.memory_space<vmem>>, vector<16xf32>,
      tpu.vector_store %arg11[%swap3A_436, %swap3A_437], %gather3A_434 {strides = array<i32>} : memref<8x80xf32, #tpu.memory_space<vmem>>, vector<16xf32>,
      %add3A_439 = arith.constant 16 : i32
      %add3A_440 = vector.broadcast %add3A_439 : i32 to vector<16xi32>
      %add3A_441 = arith.addi %iota3A, %add3A_440 : vector<16xi32>
      %gather3A_442 = tpu.vector_load_idx %arg9[%add3A_441, %broadcast_in_dim3A_430] : memref<80x16xf32, #tpu.memory_space<vmem>>[vector<16xi32>, vector<16xi32>], vector<16xf32>,
      %swap3A_443 = arith.constant 1 : i32
      %swap3A_444 = arith.index_cast %swap3A_443 : i32 to index
      %swap3A_445 = arith.constant 16 : index
      %swap3A_446 = tpu.vector_load %arg11[%swap3A_444, %swap3A_445] {strides = array<i32>} : memref<8x80xf32, #tpu.memory_space<vmem>>, vector<16xf32>,
      tpu.vector_store %arg11[%swap3A_444, %swap3A_445], %gather3A_442 {strides = array<i32>} : memref<8x80xf32, #tpu.memory_space<vmem>>, vector<16xf32>,
      %add3A_447 = arith.constant 32 : i32
      %add3A_448 = vector.broadcast %add3A_447 : i32 to vector<16xi32>
      %add3A_449 = arith.addi %iota3A, %add3A_448 : vector<16xi32>
      %gather3A_450 = tpu.vector_load_idx %arg9[%add3A_449, %broadcast_in_dim3A_430] : memref<80x16xf32, #tpu.memory_space<vmem>>[vector<16xi32>, vector<16xi32>], vector<16xf32>,
      %swap3A_451 = arith.constant 1 : i32
      %swap3A_452 = arith.index_cast %swap3A_451 : i32 to index
      %swap3A_453 = arith.constant 32 : index
      %swap3A_454 = tpu.vector_load %arg11[%swap3A_452, %swap3A_453] {strides = array<i32>} : memref<8x80xf32, #tpu.memory_space<vmem>>, vector<16xf32>,
      tpu.vector_store %arg11[%swap3A_452, %swap3A_453], %gather3A_450 {strides = array<i32>} : memref<8x80xf32, #tpu.memory_space<vmem>>, vector<16xf32>,
      %add3A_455 = arith.constant 48 : i32
      %add3A_456 = vector.broadcast %add3A_455 : i32 to vector<16xi32>
      %add3A_457 = arith.addi %iota3A, %add3A_456 : vector<16xi32>
      %gather3A_458 = tpu.vector_load_idx %arg9[%add3A_457, %broadcast_in_dim3A_430] : memref<80x16xf32, #tpu.memory_space<vmem>>[vector<16xi32>, vector<16xi32>], vector<16xf32>,
      %swap3A_459 = arith.constant 1 : i32
      %swap3A_460 = arith.index_cast %swap3A_459 : i32 to index
      %swap3A_461 = arith.constant 48 : index
      %swap3A_462 = tpu.vector_load %arg11[%swap3A_460, %swap3A_461] {strides = array<i32>} : memref<8x80xf32, #tpu.memory_space<vmem>>, vector<16xf32>,
      tpu.vector_store %arg11[%swap3A_460, %swap3A_461], %gather3A_458 {strides = array<i32>} : memref<8x80xf32, #tpu.memory_space<vmem>>, vector<16xf32>,
      %add3A_463 = arith.constant 64 : i32
      %add3A_464 = vector.broadcast %add3A_463 : i32 to vector<16xi32>
      %add3A_465 = arith.addi %iota3A, %add3A_464 : vector<16xi32>
      %gather3A_466 = tpu.vector_load_idx %arg9[%add3A_465, %broadcast_in_dim3A_430] : memref<80x16xf32, #tpu.memory_space<vmem>>[vector<16xi32>, vector<16xi32>], vector<16xf32>,
      %swap3A_467 = arith.constant 1 : i32
      %swap3A_468 = arith.index_cast %swap3A_467 : i32 to index
      %swap3A_469 = arith.constant 64 : index
      %swap3A_470 = tpu.vector_load %arg11[%swap3A_468, %swap3A_469] {strides = array<i32>} : memref<8x80xf32, #tpu.memory_space<vmem>>, vector<16xf32>,
      tpu.vector_store %arg11[%swap3A_468, %swap3A_469], %gather3A_466 {strides = array<i32>} : memref<8x80xf32, #tpu.memory_space<vmem>>, vector<16xf32>,
      %broadcast_in_dim3A_471 = arith.constant 2 : i32
      %broadcast_in_dim3A_472 = vector.broadcast %broadcast_in_dim3A_471 : i32 to vector<16xi32>
      %add3A_473 = arith.constant 0 : i32
      %add3A_474 = vector.broadcast %add3A_473 : i32 to vector<16xi32>
      %add3A_475 = arith.addi %iota3A, %add3A_474 : vector<16xi32>
      %gather3A_476 = tpu.vector_load_idx %arg9[%add3A_475, %broadcast_in_dim3A_472] : memref<80x16xf32, #tpu.memory_space<vmem>>[vector<16xi32>, vector<16xi32>], vector<16xf32>,
      %swap3A_477 = arith.constant 2 : i32
      %swap3A_478 = arith.index_cast %swap3A_477 : i32 to index
      %swap3A_479 = arith.constant 0 : index
      %swap3A_480 = tpu.vector_load %arg11[%swap3A_478, %swap3A_479] {strides = array<i32>} : memref<8x80xf32, #tpu.memory_space<vmem>>, vector<16xf32>,
      tpu.vector_store %arg11[%swap3A_478, %swap3A_479], %gather3A_476 {strides = array<i32>} : memref<8x80xf32, #tpu.memory_space<vmem>>, vector<16xf32>,
      %add3A_481 = arith.constant 16 : i32
      %add3A_482 = vector.broadcast %add3A_481 : i32 to vector<16xi32>
      %add3A_483 = arith.addi %iota3A, %add3A_482 : vector<16xi32>
      %gather3A_484 = tpu.vector_load_idx %arg9[%add3A_483, %broadcast_in_dim3A_472] : memref<80x16xf32, #tpu.memory_space<vmem>>[vector<16xi32>, vector<16xi32>], vector<16xf32>,
      %swap3A_485 = arith.constant 2 : i32
      %swap3A_486 = arith.index_cast %swap3A_485 : i32 to index
      %swap3A_487 = arith.constant 16 : index
      %swap3A_488 = tpu.vector_load %arg11[%swap3A_486, %swap3A_487] {strides = array<i32>} : memref<8x80xf32, #tpu.memory_space<vmem>>, vector<16xf32>,
      tpu.vector_store %arg11[%swap3A_486, %swap3A_487], %gather3A_484 {strides = array<i32>} : memref<8x80xf32, #tpu.memory_space<vmem>>, vector<16xf32>,
      %add3A_489 = arith.constant 32 : i32
      %add3A_490 = vector.broadcast %add3A_489 : i32 to vector<16xi32>
      %add3A_491 = arith.addi %iota3A, %add3A_490 : vector<16xi32>
      %gather3A_492 = tpu.vector_load_idx %arg9[%add3A_491, %broadcast_in_dim3A_472] : memref<80x16xf32, #tpu.memory_space<vmem>>[vector<16xi32>, vector<16xi32>], vector<16xf32>,
      %swap3A_493 = arith.constant 2 : i32
      %swap3A_494 = arith.index_cast %swap3A_493 : i32 to index
      %swap3A_495 = arith.constant 32 : index
      %swap3A_496 = tpu.vector_load %arg11[%swap3A_494, %swap3A_495] {strides = array<i32>} : memref<8x80xf32, #tpu.memory_space<vmem>>, vector<16xf32>,
      tpu.vector_store %arg11[%swap3A_494, %swap3A_495], %gather3A_492 {strides = array<i32>} : memref<8x80xf32, #tpu.memory_space<vmem>>, vector<16xf32>,
      %add3A_497 = arith.constant 48 : i32
      %add3A_498 = vector.broadcast %add3A_497 : i32 to vector<16xi32>
      %add3A_499 = arith.addi %iota3A, %add3A_498 : vector<16xi32>
      %gather3A_500 = tpu.vector_load_idx %arg9[%add3A_499, %broadcast_in_dim3A_472] : memref<80x16xf32, #tpu.memory_space<vmem>>[vector<16xi32>, vector<16xi32>], vector<16xf32>,
      %swap3A_501 = arith.constant 2 : i32
      %swap3A_502 = arith.index_cast %swap3A_501 : i32 to index
      %swap3A_503 = arith.constant 48 : index
      %swap3A_504 = tpu.vector_load %arg11[%swap3A_502, %swap3A_503] {strides = array<i32>} : memref<8x80xf32, #tpu.memory_space<vmem>>, vector<16xf32>,
      tpu.vector_store %arg11[%swap3A_502, %swap3A_503], %gather3A_500 {strides = array<i32>} : memref<8x80xf32, #tpu.memory_space<vmem>>, vector<16xf32>,
      %add3A_505 = arith.constant 64 : i32
      %add3A_506 = vector.broadcast %add3A_505 : i32 to vector<16xi32>
      %add3A_507 = arith.addi %iota3A, %add3A_506 : vector<16xi32>
      %gather3A_508 = tpu.vector_load_idx %arg9[%add3A_507, %broadcast_in_dim3A_472] : memref<80x16xf32, #tpu.memory_space<vmem>>[vector<16xi32>, vector<16xi32>], vector<16xf32>,
      %swap3A_509 = arith.constant 2 : i32
      %swap3A_510 = arith.index_cast %swap3A_509 : i32 to index
      %swap3A_511 = arith.constant 64 : index
      %swap3A_512 = tpu.vector_load %arg11[%swap3A_510, %swap3A_511] {strides = array<i32>} : memref<8x80xf32, #tpu.memory_space<vmem>>, vector<16xf32>,
      tpu.vector_store %arg11[%swap3A_510, %swap3A_511], %gather3A_508 {strides = array<i32>} : memref<8x80xf32, #tpu.memory_space<vmem>>, vector<16xf32>,
      %dma_start3A_513 = arith.constant 0 : i32
      %dma_start3A_514 = tpu.memref_slice %arg5[%dma_start3A_513, %add3A_386] : memref<8x320000xf32, #tpu.memory_space<hbm>> -> memref<8x80xf32, #tpu.memory_space<hbm>>
      %dma_start3A_515 = arith.constant 0 : i32
      %dma_start3A_516 = tpu.memref_slice %arg5[%dma_start3A_515, %add3A_386] : memref<8x320000xf32, #tpu.memory_space<hbm>> -> memref<8x80xf32, #tpu.memory_space<hbm>>
      tpu.enqueue_dma source(%arg11 : memref<8x80xf32, #tpu.memory_space<vmem>>) target(%dma_start3A_516 : memref<8x80xf32, #tpu.memory_space<hbm>>) target_semaphore(%arg19 : memref<!tpu.dma_semaphore, #tpu.memory_space<semaphore_mem>>)
      %dma_start3A_517 = arith.constant 0 : i32
      %dma_start3A_518 = tpu.memref_slice %arg6[%add3A_386, %dma_start3A_517] : memref<320000x128xf32, #tpu.memory_space<hbm>> -> memref<80x128xf32, #tpu.memory_space<hbm>>
      %dma_start3A_519 = arith.constant 0 : i32
      %dma_start3A_520 = tpu.memref_slice %arg6[%add3A_386, %dma_start3A_519] : memref<320000x128xf32, #tpu.memory_space<hbm>> -> memref<80x128xf32, #tpu.memory_space<hbm>>
      tpu.enqueue_dma source(%arg13 : memref<80x128xf32, #tpu.memory_space<vmem>>) target(%dma_start3A_520 : memref<80x128xf32, #tpu.memory_space<hbm>>) target_semaphore(%arg21 : memref<!tpu.dma_semaphore, #tpu.memory_space<semaphore_mem>>)
    }
    %scan3A_16 = arith.constant 62 : i32
    %add3A_17 = arith.constant 9840 : i32
    %add3A_18 = arith.addi %mul3A_2, %add3A_17 : i32
    %dma_wait3A = arith.constant 0 : i32
    %dma_wait3A_19 = tpu.memref_slice %arg5[%dma_wait3A, %add3A_18] : memref<8x320000xf32, #tpu.memory_space<hbm>> -> memref<8x80xf32, #tpu.memory_space<hbm>>
    %dma_wait3A_20 = arith.constant 0 : i32
    %dma_wait3A_21 = tpu.memref_slice %arg5[%dma_wait3A_20, %add3A_18] : memref<8x320000xf32, #tpu.memory_space<hbm>> -> memref<8x80xf32, #tpu.memory_space<hbm>>
    tpu.wait_dma2 semaphore(%arg19 : memref<!tpu.dma_semaphore, #tpu.memory_space<semaphore_mem>>) src(%arg11 : memref<8x80xf32, #tpu.memory_space<vmem>>) dst(%dma_wait3A_21 : memref<8x80xf32, #tpu.memory_space<hbm>>)
    %dma_wait3A_22 = arith.constant 0 : i32
    %dma_wait3A_23 = tpu.memref_slice %arg6[%add3A_18, %dma_wait3A_22] : memref<320000x128xf32, #tpu.memory_space<hbm>> -> memref<80x128xf32, #tpu.memory_space<hbm>>
    %dma_wait3A_24 = arith.constant 0 : i32
    %dma_wait3A_25 = tpu.memref_slice %arg6[%add3A_18, %dma_wait3A_24] : memref<320000x128xf32, #tpu.memory_space<hbm>> -> memref<80x128xf32, #tpu.memory_space<hbm>>
    tpu.wait_dma2 semaphore(%arg21 : memref<!tpu.dma_semaphore, #tpu.memory_space<semaphore_mem>>) src(%arg13 : memref<80x128xf32, #tpu.memory_space<vmem>>) dst(%dma_wait3A_25 : memref<80x128xf32, #tpu.memory_space<hbm>>)
    %dma_wait3A_26 = arith.constant 9920 : i32
    %dma_wait3A_27 = tpu.memref_slice %arg7[%dma_wait3A_26] : memref<10000xi32, #tpu.memory_space<vmem>> -> memref<80xi32, #tpu.memory_space<vmem>>
    %dma_wait3A_28 = arith.constant 0 : i32
    %dma_wait3A_29 = arith.constant 0 : i32
    %dma_wait3A_30 = tpu.memref_slice %arg2[%dma_wait3A_28, %dma_wait3A_29] : memref<10000x16xf32, #tpu.memory_space<hbm>> -> memref<10000x16xf32, #tpu.memory_space<hbm>>
    tpu.wait_indirect_dma semaphore(%arg14 : memref<!tpu.dma_semaphore, #tpu.memory_space<semaphore_mem>>) src(%dma_wait3A_30 : memref<10000x16xf32, #tpu.memory_space<hbm>>) dst(%arg8 : memref<80x16xf32, #tpu.memory_space<vmem>>)
    %dma_wait3A_31 = arith.constant 9920 : i32
    %dma_wait3A_32 = tpu.memref_slice %arg7[%dma_wait3A_31] : memref<10000xi32, #tpu.memory_space<vmem>> -> memref<80xi32, #tpu.memory_space<vmem>>
    %dma_wait3A_33 = arith.constant 0 : i32
    %dma_wait3A_34 = arith.constant 0 : i32
    %dma_wait3A_35 = tpu.memref_slice %arg3[%dma_wait3A_33, %dma_wait3A_34] : memref<10000x128xf32, #tpu.memory_space<hbm>> -> memref<10000x128xf32, #tpu.memory_space<hbm>>
    tpu.wait_indirect_dma semaphore(%arg16 : memref<!tpu.dma_semaphore, #tpu.memory_space<semaphore_mem>>) src(%dma_wait3A_35 : memref<10000x128xf32, #tpu.memory_space<hbm>>) dst(%arg12 : memref<80x128xf32, #tpu.memory_space<vmem>>)
    %add3A_36 = arith.constant 9920 : i32
    %add3A_37 = arith.addi %mul3A_2, %add3A_36 : i32
    %broadcast_in_dim3A = arith.constant 0 : i32
    %broadcast_in_dim3A_38 = vector.broadcast %broadcast_in_dim3A : i32 to vector<16xi32>
    %add3A_39 = arith.constant 0 : i32
    %add3A_40 = vector.broadcast %add3A_39 : i32 to vector<16xi32>
    %add3A_41 = arith.addi %iota3A, %add3A_40 : vector<16xi32>
    %gather3A = tpu.vector_load_idx %arg8[%add3A_41, %broadcast_in_dim3A_38] : memref<80x16xf32, #tpu.memory_space<vmem>>[vector<16xi32>, vector<16xi32>], vector<16xf32>,
    %swap3A = arith.constant 0 : i32
    %swap3A_42 = arith.index_cast %swap3A : i32 to index
    %swap3A_43 = arith.constant 0 : index
    %swap3A_44 = tpu.vector_load %arg10[%swap3A_42, %swap3A_43] {strides = array<i32>} : memref<8x80xf32, #tpu.memory_space<vmem>>, vector<16xf32>,
    tpu.vector_store %arg10[%swap3A_42, %swap3A_43], %gather3A {strides = array<i32>} : memref<8x80xf32, #tpu.memory_space<vmem>>, vector<16xf32>,
    %add3A_45 = arith.constant 16 : i32
    %add3A_46 = vector.broadcast %add3A_45 : i32 to vector<16xi32>
    %add3A_47 = arith.addi %iota3A, %add3A_46 : vector<16xi32>
    %gather3A_48 = tpu.vector_load_idx %arg8[%add3A_47, %broadcast_in_dim3A_38] : memref<80x16xf32, #tpu.memory_space<vmem>>[vector<16xi32>, vector<16xi32>], vector<16xf32>,
    %swap3A_49 = arith.constant 0 : i32
    %swap3A_50 = arith.index_cast %swap3A_49 : i32 to index
    %swap3A_51 = arith.constant 16 : index
    %swap3A_52 = tpu.vector_load %arg10[%swap3A_50, %swap3A_51] {strides = array<i32>} : memref<8x80xf32, #tpu.memory_space<vmem>>, vector<16xf32>,
    tpu.vector_store %arg10[%swap3A_50, %swap3A_51], %gather3A_48 {strides = array<i32>} : memref<8x80xf32, #tpu.memory_space<vmem>>, vector<16xf32>,
    %add3A_53 = arith.constant 32 : i32
    %add3A_54 = vector.broadcast %add3A_53 : i32 to vector<16xi32>
    %add3A_55 = arith.addi %iota3A, %add3A_54 : vector<16xi32>
    %gather3A_56 = tpu.vector_load_idx %arg8[%add3A_55, %broadcast_in_dim3A_38] : memref<80x16xf32, #tpu.memory_space<vmem>>[vector<16xi32>, vector<16xi32>], vector<16xf32>,
    %swap3A_57 = arith.constant 0 : i32
    %swap3A_58 = arith.index_cast %swap3A_57 : i32 to index
    %swap3A_59 = arith.constant 32 : index
    %swap3A_60 = tpu.vector_load %arg10[%swap3A_58, %swap3A_59] {strides = array<i32>} : memref<8x80xf32, #tpu.memory_space<vmem>>, vector<16xf32>,
    tpu.vector_store %arg10[%swap3A_58, %swap3A_59], %gather3A_56 {strides = array<i32>} : memref<8x80xf32, #tpu.memory_space<vmem>>, vector<16xf32>,
    %add3A_61 = arith.constant 48 : i32
    %add3A_62 = vector.broadcast %add3A_61 : i32 to vector<16xi32>
    %add3A_63 = arith.addi %iota3A, %add3A_62 : vector<16xi32>
    %gather3A_64 = tpu.vector_load_idx %arg8[%add3A_63, %broadcast_in_dim3A_38] : memref<80x16xf32, #tpu.memory_space<vmem>>[vector<16xi32>, vector<16xi32>], vector<16xf32>,
    %swap3A_65 = arith.constant 0 : i32
    %swap3A_66 = arith.index_cast %swap3A_65 : i32 to index
    %swap3A_67 = arith.constant 48 : index
    %swap3A_68 = tpu.vector_load %arg10[%swap3A_66, %swap3A_67] {strides = array<i32>} : memref<8x80xf32, #tpu.memory_space<vmem>>, vector<16xf32>,
    tpu.vector_store %arg10[%swap3A_66, %swap3A_67], %gather3A_64 {strides = array<i32>} : memref<8x80xf32, #tpu.memory_space<vmem>>, vector<16xf32>,
    %add3A_69 = arith.constant 64 : i32
    %add3A_70 = vector.broadcast %add3A_69 : i32 to vector<16xi32>
    %add3A_71 = arith.addi %iota3A, %add3A_70 : vector<16xi32>
    %gather3A_72 = tpu.vector_load_idx %arg8[%add3A_71, %broadcast_in_dim3A_38] : memref<80x16xf32, #tpu.memory_space<vmem>>[vector<16xi32>, vector<16xi32>], vector<16xf32>,
    %swap3A_73 = arith.constant 0 : i32
    %swap3A_74 = arith.index_cast %swap3A_73 : i32 to index
    %swap3A_75 = arith.constant 64 : index
    %swap3A_76 = tpu.vector_load %arg10[%swap3A_74, %swap3A_75] {strides = array<i32>} : memref<8x80xf32, #tpu.memory_space<vmem>>, vector<16xf32>,
    tpu.vector_store %arg10[%swap3A_74, %swap3A_75], %gather3A_72 {strides = array<i32>} : memref<8x80xf32, #tpu.memory_space<vmem>>, vector<16xf32>,
    %broadcast_in_dim3A_77 = arith.constant 1 : i32
    %broadcast_in_dim3A_78 = vector.broadcast %broadcast_in_dim3A_77 : i32 to vector<16xi32>
    %add3A_79 = arith.constant 0 : i32
    %add3A_80 = vector.broadcast %add3A_79 : i32 to vector<16xi32>
    %add3A_81 = arith.addi %iota3A, %add3A_80 : vector<16xi32>
    %gather3A_82 = tpu.vector_load_idx %arg8[%add3A_81, %broadcast_in_dim3A_78] : memref<80x16xf32, #tpu.memory_space<vmem>>[vector<16xi32>, vector<16xi32>], vector<16xf32>,
    %swap3A_83 = arith.constant 1 : i32
    %swap3A_84 = arith.index_cast %swap3A_83 : i32 to index
    %swap3A_85 = arith.constant 0 : index
    %swap3A_86 = tpu.vector_load %arg10[%swap3A_84, %swap3A_85] {strides = array<i32>} : memref<8x80xf32, #tpu.memory_space<vmem>>, vector<16xf32>,
    tpu.vector_store %arg10[%swap3A_84, %swap3A_85], %gather3A_82 {strides = array<i32>} : memref<8x80xf32, #tpu.memory_space<vmem>>, vector<16xf32>,
    %add3A_87 = arith.constant 16 : i32
    %add3A_88 = vector.broadcast %add3A_87 : i32 to vector<16xi32>
    %add3A_89 = arith.addi %iota3A, %add3A_88 : vector<16xi32>
    %gather3A_90 = tpu.vector_load_idx %arg8[%add3A_89, %broadcast_in_dim3A_78] : memref<80x16xf32, #tpu.memory_space<vmem>>[vector<16xi32>, vector<16xi32>], vector<16xf32>,
    %swap3A_91 = arith.constant 1 : i32
    %swap3A_92 = arith.index_cast %swap3A_91 : i32 to index
    %swap3A_93 = arith.constant 16 : index
    %swap3A_94 = tpu.vector_load %arg10[%swap3A_92, %swap3A_93] {strides = array<i32>} : memref<8x80xf32, #tpu.memory_space<vmem>>, vector<16xf32>,
    tpu.vector_store %arg10[%swap3A_92, %swap3A_93], %gather3A_90 {strides = array<i32>} : memref<8x80xf32, #tpu.memory_space<vmem>>, vector<16xf32>,
    %add3A_95 = arith.constant 32 : i32
    %add3A_96 = vector.broadcast %add3A_95 : i32 to vector<16xi32>
    %add3A_97 = arith.addi %iota3A, %add3A_96 : vector<16xi32>
    %gather3A_98 = tpu.vector_load_idx %arg8[%add3A_97, %broadcast_in_dim3A_78] : memref<80x16xf32, #tpu.memory_space<vmem>>[vector<16xi32>, vector<16xi32>], vector<16xf32>,
    %swap3A_99 = arith.constant 1 : i32
    %swap3A_100 = arith.index_cast %swap3A_99 : i32 to index
    %swap3A_101 = arith.constant 32 : index
    %swap3A_102 = tpu.vector_load %arg10[%swap3A_100, %swap3A_101] {strides = array<i32>} : memref<8x80xf32, #tpu.memory_space<vmem>>, vector<16xf32>,
    tpu.vector_store %arg10[%swap3A_100, %swap3A_101], %gather3A_98 {strides = array<i32>} : memref<8x80xf32, #tpu.memory_space<vmem>>, vector<16xf32>,
    %add3A_103 = arith.constant 48 : i32
    %add3A_104 = vector.broadcast %add3A_103 : i32 to vector<16xi32>
    %add3A_105 = arith.addi %iota3A, %add3A_104 : vector<16xi32>
    %gather3A_106 = tpu.vector_load_idx %arg8[%add3A_105, %broadcast_in_dim3A_78] : memref<80x16xf32, #tpu.memory_space<vmem>>[vector<16xi32>, vector<16xi32>], vector<16xf32>,
    %swap3A_107 = arith.constant 1 : i32
    %swap3A_108 = arith.index_cast %swap3A_107 : i32 to index
    %swap3A_109 = arith.constant 48 : index
    %swap3A_110 = tpu.vector_load %arg10[%swap3A_108, %swap3A_109] {strides = array<i32>} : memref<8x80xf32, #tpu.memory_space<vmem>>, vector<16xf32>,
    tpu.vector_store %arg10[%swap3A_108, %swap3A_109], %gather3A_106 {strides = array<i32>} : memref<8x80xf32, #tpu.memory_space<vmem>>, vector<16xf32>,
    %add3A_111 = arith.constant 64 : i32
    %add3A_112 = vector.broadcast %add3A_111 : i32 to vector<16xi32>
    %add3A_113 = arith.addi %iota3A, %add3A_112 : vector<16xi32>
    %gather3A_114 = tpu.vector_load_idx %arg8[%add3A_113, %broadcast_in_dim3A_78] : memref<80x16xf32, #tpu.memory_space<vmem>>[vector<16xi32>, vector<16xi32>], vector<16xf32>,
    %swap3A_115 = arith.constant 1 : i32
    %swap3A_116 = arith.index_cast %swap3A_115 : i32 to index
    %swap3A_117 = arith.constant 64 : index
    %swap3A_118 = tpu.vector_load %arg10[%swap3A_116, %swap3A_117] {strides = array<i32>} : memref<8x80xf32, #tpu.memory_space<vmem>>, vector<16xf32>,
    tpu.vector_store %arg10[%swap3A_116, %swap3A_117], %gather3A_114 {strides = array<i32>} : memref<8x80xf32, #tpu.memory_space<vmem>>, vector<16xf32>,
    %broadcast_in_dim3A_119 = arith.constant 2 : i32
    %broadcast_in_dim3A_120 = vector.broadcast %broadcast_in_dim3A_119 : i32 to vector<16xi32>
    %add3A_121 = arith.constant 0 : i32
    %add3A_122 = vector.broadcast %add3A_121 : i32 to vector<16xi32>
    %add3A_123 = arith.addi %iota3A, %add3A_122 : vector<16xi32>
    %gather3A_124 = tpu.vector_load_idx %arg8[%add3A_123, %broadcast_in_dim3A_120] : memref<80x16xf32, #tpu.memory_space<vmem>>[vector<16xi32>, vector<16xi32>], vector<16xf32>,
    %swap3A_125 = arith.constant 2 : i32
    %swap3A_126 = arith.index_cast %swap3A_125 : i32 to index
    %swap3A_127 = arith.constant 0 : index
    %swap3A_128 = tpu.vector_load %arg10[%swap3A_126, %swap3A_127] {strides = array<i32>} : memref<8x80xf32, #tpu.memory_space<vmem>>, vector<16xf32>,
    tpu.vector_store %arg10[%swap3A_126, %swap3A_127], %gather3A_124 {strides = array<i32>} : memref<8x80xf32, #tpu.memory_space<vmem>>, vector<16xf32>,
    %add3A_129 = arith.constant 16 : i32
    %add3A_130 = vector.broadcast %add3A_129 : i32 to vector<16xi32>
    %add3A_131 = arith.addi %iota3A, %add3A_130 : vector<16xi32>
    %gather3A_132 = tpu.vector_load_idx %arg8[%add3A_131, %broadcast_in_dim3A_120] : memref<80x16xf32, #tpu.memory_space<vmem>>[vector<16xi32>, vector<16xi32>], vector<16xf32>,
    %swap3A_133 = arith.constant 2 : i32
    %swap3A_134 = arith.index_cast %swap3A_133 : i32 to index
    %swap3A_135 = arith.constant 16 : index
    %swap3A_136 = tpu.vector_load %arg10[%swap3A_134, %swap3A_135] {strides = array<i32>} : memref<8x80xf32, #tpu.memory_space<vmem>>, vector<16xf32>,
    tpu.vector_store %arg10[%swap3A_134, %swap3A_135], %gather3A_132 {strides = array<i32>} : memref<8x80xf32, #tpu.memory_space<vmem>>, vector<16xf32>,
    %add3A_137 = arith.constant 32 : i32
    %add3A_138 = vector.broadcast %add3A_137 : i32 to vector<16xi32>
    %add3A_139 = arith.addi %iota3A, %add3A_138 : vector<16xi32>
    %gather3A_140 = tpu.vector_load_idx %arg8[%add3A_139, %broadcast_in_dim3A_120] : memref<80x16xf32, #tpu.memory_space<vmem>>[vector<16xi32>, vector<16xi32>], vector<16xf32>,
    %swap3A_141 = arith.constant 2 : i32
    %swap3A_142 = arith.index_cast %swap3A_141 : i32 to index
    %swap3A_143 = arith.constant 32 : index
    %swap3A_144 = tpu.vector_load %arg10[%swap3A_142, %swap3A_143] {strides = array<i32>} : memref<8x80xf32, #tpu.memory_space<vmem>>, vector<16xf32>,
    tpu.vector_store %arg10[%swap3A_142, %swap3A_143], %gather3A_140 {strides = array<i32>} : memref<8x80xf32, #tpu.memory_space<vmem>>, vector<16xf32>,
    %add3A_145 = arith.constant 48 : i32
    %add3A_146 = vector.broadcast %add3A_145 : i32 to vector<16xi32>
    %add3A_147 = arith.addi %iota3A, %add3A_146 : vector<16xi32>
    %gather3A_148 = tpu.vector_load_idx %arg8[%add3A_147, %broadcast_in_dim3A_120] : memref<80x16xf32, #tpu.memory_space<vmem>>[vector<16xi32>, vector<16xi32>], vector<16xf32>,
    %swap3A_149 = arith.constant 2 : i32
    %swap3A_150 = arith.index_cast %swap3A_149 : i32 to index
    %swap3A_151 = arith.constant 48 : index
    %swap3A_152 = tpu.vector_load %arg10[%swap3A_150, %swap3A_151] {strides = array<i32>} : memref<8x80xf32, #tpu.memory_space<vmem>>, vector<16xf32>,
    tpu.vector_store %arg10[%swap3A_150, %swap3A_151], %gather3A_148 {strides = array<i32>} : memref<8x80xf32, #tpu.memory_space<vmem>>, vector<16xf32>,
    %add3A_153 = arith.constant 64 : i32
    %add3A_154 = vector.broadcast %add3A_153 : i32 to vector<16xi32>
    %add3A_155 = arith.addi %iota3A, %add3A_154 : vector<16xi32>
    %gather3A_156 = tpu.vector_load_idx %arg8[%add3A_155, %broadcast_in_dim3A_120] : memref<80x16xf32, #tpu.memory_space<vmem>>[vector<16xi32>, vector<16xi32>], vector<16xf32>,
    %swap3A_157 = arith.constant 2 : i32
    %swap3A_158 = arith.index_cast %swap3A_157 : i32 to index
    %swap3A_159 = arith.constant 64 : index
    %swap3A_160 = tpu.vector_load %arg10[%swap3A_158, %swap3A_159] {strides = array<i32>} : memref<8x80xf32, #tpu.memory_space<vmem>>, vector<16xf32>,
    tpu.vector_store %arg10[%swap3A_158, %swap3A_159], %gather3A_156 {strides = array<i32>} : memref<8x80xf32, #tpu.memory_space<vmem>>, vector<16xf32>,
    %dma_start3A_161 = arith.constant 0 : i32
    %dma_start3A_162 = tpu.memref_slice %arg5[%dma_start3A_161, %add3A_37] : memref<8x320000xf32, #tpu.memory_space<hbm>> -> memref<8x80xf32, #tpu.memory_space<hbm>>
    %dma_start3A_163 = arith.constant 0 : i32
    %dma_start3A_164 = tpu.memref_slice %arg5[%dma_start3A_163, %add3A_37] : memref<8x320000xf32, #tpu.memory_space<hbm>> -> memref<8x80xf32, #tpu.memory_space<hbm>>
    tpu.enqueue_dma source(%arg10 : memref<8x80xf32, #tpu.memory_space<vmem>>) target(%dma_start3A_164 : memref<8x80xf32, #tpu.memory_space<hbm>>) target_semaphore(%arg18 : memref<!tpu.dma_semaphore, #tpu.memory_space<semaphore_mem>>)
    %dma_start3A_165 = arith.constant 0 : i32
    %dma_start3A_166 = tpu.memref_slice %arg6[%add3A_37, %dma_start3A_165] : memref<320000x128xf32, #tpu.memory_space<hbm>> -> memref<80x128xf32, #tpu.memory_space<hbm>>
    %dma_start3A_167 = arith.constant 0 : i32
    %dma_start3A_168 = tpu.memref_slice %arg6[%add3A_37, %dma_start3A_167] : memref<320000x128xf32, #tpu.memory_space<hbm>> -> memref<80x128xf32, #tpu.memory_space<hbm>>
    tpu.enqueue_dma source(%arg12 : memref<80x128xf32, #tpu.memory_space<vmem>>) target(%dma_start3A_168 : memref<80x128xf32, #tpu.memory_space<hbm>>) target_semaphore(%arg20 : memref<!tpu.dma_semaphore, #tpu.memory_space<semaphore_mem>>)
    %add3A_169 = arith.constant 9920 : i32
    %add3A_170 = arith.addi %mul3A_2, %add3A_169 : i32
    %dma_wait3A_171 = arith.constant 0 : i32
    %dma_wait3A_172 = tpu.memref_slice %arg5[%dma_wait3A_171, %add3A_170] : memref<8x320000xf32, #tpu.memory_space<hbm>> -> memref<8x80xf32, #tpu.memory_space<hbm>>
    %dma_wait3A_173 = arith.constant 0 : i32
    %dma_wait3A_174 = tpu.memref_slice %arg5[%dma_wait3A_173, %add3A_170] : memref<8x320000xf32, #tpu.memory_space<hbm>> -> memref<8x80xf32, #tpu.memory_space<hbm>>
    tpu.wait_dma2 semaphore(%arg18 : memref<!tpu.dma_semaphore, #tpu.memory_space<semaphore_mem>>) src(%arg10 : memref<8x80xf32, #tpu.memory_space<vmem>>) dst(%dma_wait3A_174 : memref<8x80xf32, #tpu.memory_space<hbm>>)
    %dma_wait3A_175 = arith.constant 0 : i32
    %dma_wait3A_176 = tpu.memref_slice %arg6[%add3A_170, %dma_wait3A_175] : memref<320000x128xf32, #tpu.memory_space<hbm>> -> memref<80x128xf32, #tpu.memory_space<hbm>>
    %dma_wait3A_177 = arith.constant 0 : i32
    %dma_wait3A_178 = tpu.memref_slice %arg6[%add3A_170, %dma_wait3A_177] : memref<320000x128xf32, #tpu.memory_space<hbm>> -> memref<80x128xf32, #tpu.memory_space<hbm>>
    tpu.wait_dma2 semaphore(%arg20 : memref<!tpu.dma_semaphore, #tpu.memory_space<semaphore_mem>>) src(%arg12 : memref<80x128xf32, #tpu.memory_space<vmem>>) dst(%dma_wait3A_178 : memref<80x128xf32, #tpu.memory_space<hbm>>)
    return
  }
}

module attributes {stable_mosaic.version = 14 : i64} {
  func.func @_tc_body(%arg0: i32, %arg1: memref<8x12800xf32, #tpu.memory_space<vmem>>, %arg2: memref<8x12800xf32, #tpu.memory_space<vmem>>, %arg3: memref<12800x128xf32, #tpu.memory_space<vmem>>, %arg4: memref<16x16xf32, #tpu.memory_space<vmem>>, %arg5: memref<2048x128xbf16, #tpu.memory_space<vmem>>, %arg6: memref<400x128xf32, #tpu.memory_space<vmem>>, %arg7: memref<400x2048xbf16, #tpu.memory_space<vmem>>, %arg8: memref<8x12800xf32, #tpu.memory_space<vmem>>) attributes {dimension_semantics = [#tpu.dimension_semantics<arbitrary>], iteration_bounds = array<i64: 25>, scalar_prefetch = 0 : i64, scratch_operands = 2 : i64, tpu.core_type = #tpu.core_type<tc>, window_params = [{transform_indices = @transform_0, window_bounds = array<i64: 8, 12800>}, {transform_indices = @transform_1, window_bounds = array<i64: 8, 12800>}, {transform_indices = @transform_2, window_bounds = array<i64: 12800, 128>}, {pipeline_mode = #tpu.pipeline_mode<synchronous>, transform_indices = @transform_3, window_bounds = array<i64: 16, 16>}, {pipeline_mode = #tpu.pipeline_mode<synchronous>, transform_indices = @transform_4, window_bounds = array<i64: 2048, 128>}, {transform_indices = @transform_5, window_bounds = array<i64: 400, 128>}]} {
    %iota3A = tpu.iota {dimensions = array<i32: 0>} : vector<128x256xi32>
    %jit3A = arith.constant 16 : i32
    %div3A = vector.broadcast %jit3A : i32 to vector<128x256xi32>
    %div3A_0 = arith.divsi %iota3A, %div3A : vector<128x256xi32>
    %sign3A = arith.constant 0 : i32
    %sign3A_1 = vector.broadcast %sign3A : i32 to vector<128x256xi32>
    %sign3A_2 = arith.cmpi sgt, %iota3A, %sign3A_1 : vector<128x256xi32>
    %sign3A_3 = arith.extui %sign3A_2 : vector<128x256xi1> to vector<128x256xi32>
    %sign3A_4 = arith.constant 0 : i32
    %sign3A_5 = vector.broadcast %sign3A_4 : i32 to vector<128x256xi32>
    %sign3A_6 = arith.cmpi slt, %iota3A, %sign3A_5 : vector<128x256xi32>
    %sign3A_7 = arith.extui %sign3A_6 : vector<128x256xi1> to vector<128x256xi32>
    %sign3A_8 = arith.subi %sign3A_3, %sign3A_7 : vector<128x256xi32>
    %sign3A_9 = arith.constant 0 : i32
    %sign3A_10 = arith.cmpi sgt, %jit3A, %sign3A_9 : i32
    %sign3A_11 = arith.extui %sign3A_10 : i1 to i32
    %sign3A_12 = arith.constant 0 : i32
    %sign3A_13 = arith.cmpi slt, %jit3A, %sign3A_12 : i32
    %sign3A_14 = arith.extui %sign3A_13 : i1 to i32
    %sign3A_15 = arith.subi %sign3A_11, %sign3A_14 : i32
    %ne3A = vector.broadcast %sign3A_15 : i32 to vector<128x256xi32>
    %ne3A_16 = arith.cmpi ne, %sign3A_8, %ne3A : vector<128x256xi32>
    %rem3A = vector.broadcast %jit3A : i32 to vector<128x256xi32>
    %rem3A_17 = arith.remsi %iota3A, %rem3A : vector<128x256xi32>
    %ne3A_18 = arith.constant 0 : i32
    %ne3A_19 = vector.broadcast %ne3A_18 : i32 to vector<128x256xi32>
    %ne3A_20 = arith.cmpi ne, %rem3A_17, %ne3A_19 : vector<128x256xi32>
    %and3A = arith.andi %ne3A_16, %ne3A_20 : vector<128x256xi1>
    %sub3A = arith.constant 1 : i32
    %sub3A_21 = vector.broadcast %sub3A : i32 to vector<128x256xi32>
    %sub3A_22 = arith.subi %div3A_0, %sub3A_21 : vector<128x256xi32>
    %select_n3A = arith.select %and3A, %sub3A_22, %div3A_0 : vector<128x256xi1>, vector<128x256xi32>
    %iota3A_23 = tpu.iota {dimensions = array<i32: 1>} : vector<128x256xi32>
    %jit3A_24 = arith.constant 32 : i32
    %div3A_25 = vector.broadcast %jit3A_24 : i32 to vector<128x256xi32>
    %div3A_26 = arith.divsi %iota3A_23, %div3A_25 : vector<128x256xi32>
    %sign3A_27 = arith.constant 0 : i32
    %sign3A_28 = vector.broadcast %sign3A_27 : i32 to vector<128x256xi32>
    %sign3A_29 = arith.cmpi sgt, %iota3A_23, %sign3A_28 : vector<128x256xi32>
    %sign3A_30 = arith.extui %sign3A_29 : vector<128x256xi1> to vector<128x256xi32>
    %sign3A_31 = arith.constant 0 : i32
    %sign3A_32 = vector.broadcast %sign3A_31 : i32 to vector<128x256xi32>
    %sign3A_33 = arith.cmpi slt, %iota3A_23, %sign3A_32 : vector<128x256xi32>
    %sign3A_34 = arith.extui %sign3A_33 : vector<128x256xi1> to vector<128x256xi32>
    %sign3A_35 = arith.subi %sign3A_30, %sign3A_34 : vector<128x256xi32>
    %sign3A_36 = arith.constant 0 : i32
    %sign3A_37 = arith.cmpi sgt, %jit3A_24, %sign3A_36 : i32
    %sign3A_38 = arith.extui %sign3A_37 : i1 to i32
    %sign3A_39 = arith.constant 0 : i32
    %sign3A_40 = arith.cmpi slt, %jit3A_24, %sign3A_39 : i32
    %sign3A_41 = arith.extui %sign3A_40 : i1 to i32
    %sign3A_42 = arith.subi %sign3A_38, %sign3A_41 : i32
    %ne3A_43 = vector.broadcast %sign3A_42 : i32 to vector<128x256xi32>
    %ne3A_44 = arith.cmpi ne, %sign3A_35, %ne3A_43 : vector<128x256xi32>
    %rem3A_45 = vector.broadcast %jit3A_24 : i32 to vector<128x256xi32>
    %rem3A_46 = arith.remsi %iota3A_23, %rem3A_45 : vector<128x256xi32>
    %ne3A_47 = arith.constant 0 : i32
    %ne3A_48 = vector.broadcast %ne3A_47 : i32 to vector<128x256xi32>
    %ne3A_49 = arith.cmpi ne, %rem3A_46, %ne3A_48 : vector<128x256xi32>
    %and3A_50 = arith.andi %ne3A_44, %ne3A_49 : vector<128x256xi1>
    %sub3A_51 = arith.constant 1 : i32
    %sub3A_52 = vector.broadcast %sub3A_51 : i32 to vector<128x256xi32>
    %sub3A_53 = arith.subi %div3A_26, %sub3A_52 : vector<128x256xi32>
    %select_n3A_54 = arith.select %and3A_50, %sub3A_53, %div3A_26 : vector<128x256xi1>, vector<128x256xi32>
    %eq3A = arith.cmpi eq, %select_n3A, %select_n3A_54 : vector<128x256xi32>
    %get3A = arith.constant 0 : index
    %get3A_55 = arith.constant 0 : index
    %get3A_56 = vector.load %arg1[%get3A, %get3A_55] : memref<8x12800xf32, #tpu.memory_space<vmem>>, vector<8x12800xf32>
    %get3A_57 = arith.constant 0 : index
    %get3A_58 = arith.constant 0 : index
    %get3A_59 = vector.load %arg2[%get3A_57, %get3A_58] : memref<8x12800xf32, #tpu.memory_space<vmem>>, vector<8x12800xf32>
    %sub3A_60 = arith.subf %get3A_56, %get3A_59 : vector<8x12800xf32>
    %swap3A = arith.constant 0 : index
    %swap3A_61 = arith.constant 0 : index
    %swap3A_62 = vector.load %arg8[%swap3A, %swap3A_61] : memref<8x12800xf32, #tpu.memory_space<vmem>>, vector<8x12800xf32>
    tpu.vector_store %arg8[%swap3A, %swap3A_61], %sub3A_60 {strides = array<i32>} : memref<8x12800xf32, #tpu.memory_space<vmem>>, vector<8x12800xf32>,
    %get3A_63 = arith.constant 0 : index
    %get3A_64 = arith.constant 0 : index
    %get3A_65 = vector.load %arg4[%get3A_63, %get3A_64] : memref<16x16xf32, #tpu.memory_space<vmem>>, vector<16x1xf32>
    %broadcast_in_dim3A = vector.shape_cast %get3A_65 : vector<16x1xf32> to vector<16x1xf32>
    %broadcast_in_dim3A_66 = vector.broadcast %broadcast_in_dim3A : vector<16x1xf32> to vector<16x256xf32>
    %get3A_67 = arith.constant 0 : index
    %get3A_68 = arith.constant 1 : index
    %get3A_69 = vector.load %arg4[%get3A_67, %get3A_68] : memref<16x16xf32, #tpu.memory_space<vmem>>, vector<16x1xf32>
    %broadcast_in_dim3A_70 = vector.shape_cast %get3A_69 : vector<16x1xf32> to vector<16x1xf32>
    %broadcast_in_dim3A_71 = vector.broadcast %broadcast_in_dim3A_70 : vector<16x1xf32> to vector<16x256xf32>
    %get3A_72 = arith.constant 0 : index
    %get3A_73 = arith.constant 2 : index
    %get3A_74 = vector.load %arg4[%get3A_72, %get3A_73] : memref<16x16xf32, #tpu.memory_space<vmem>>, vector<16x1xf32>
    %broadcast_in_dim3A_75 = vector.shape_cast %get3A_74 : vector<16x1xf32> to vector<16x1xf32>
    %broadcast_in_dim3A_76 = vector.broadcast %broadcast_in_dim3A_75 : vector<16x1xf32> to vector<16x256xf32>
    %scan3A = arith.constant 0 : i32
    %scan3A_77 = arith.constant 25 : i32
    %scan3A_78 = arith.addi %scan3A, %scan3A_77 : i32
    %scan3A_79 = arith.constant 1 : i32
    scf.for %scan3A_96 = %scan3A to %scan3A_78 step %scan3A_79  : i32 {
      %mul3A_97 = arith.constant 2 : i32
      %mul3A_98 = arith.muli %scan3A_96, %mul3A_97 : i32
      %mul3A_99 = arith.constant 256 : i32
      %mul3A_100 = arith.muli %mul3A_98, %mul3A_99 : i32
      %multiple_of3A = tpu.assume_multiple %mul3A_100, 512 : i32
      %add3A = arith.constant 0 : i32
      %add3A_101 = arith.addi %multiple_of3A, %add3A : i32
      %broadcast_in_dim3A_102 = arith.constant 0.000000e+00 : f32
      %broadcast_in_dim3A_103 = vector.broadcast %broadcast_in_dim3A_102 : f32 to vector<16x256xf32>
      %get3A_104 = arith.constant 0 : index
      %get3A_105 = arith.index_cast %add3A_101 : i32 to index
      %get3A_106 = vector.load %arg8[%get3A_104, %get3A_105] : memref<8x12800xf32, #tpu.memory_space<vmem>>, vector<1x256xf32>
      %get3A_107 = vector.shape_cast %get3A_106 : vector<1x256xf32> to vector<256xf32>
      %reshape3A = vector.shape_cast %get3A_107 : vector<256xf32> to vector<1x256xf32>
      %broadcast_in_dim3A_108 = vector.shape_cast %reshape3A : vector<1x256xf32> to vector<1x256xf32>
      %broadcast_in_dim3A_109 = vector.broadcast %broadcast_in_dim3A_108 : vector<1x256xf32> to vector<16x256xf32>
      %sub3A_110 = arith.subf %broadcast_in_dim3A_109, %broadcast_in_dim3A_66 : vector<16x256xf32>
      %mul3A_111 = arith.mulf %sub3A_110, %sub3A_110 : vector<16x256xf32>
      %add3A_112 = arith.addf %broadcast_in_dim3A_103, %mul3A_111 : vector<16x256xf32>
      %get3A_113 = arith.constant 1 : index
      %get3A_114 = arith.index_cast %add3A_101 : i32 to index
      %get3A_115 = vector.load %arg8[%get3A_113, %get3A_114] : memref<8x12800xf32, #tpu.memory_space<vmem>>, vector<1x256xf32>
      %get3A_116 = vector.shape_cast %get3A_115 : vector<1x256xf32> to vector<256xf32>
      %reshape3A_117 = vector.shape_cast %get3A_116 : vector<256xf32> to vector<1x256xf32>
      %broadcast_in_dim3A_118 = vector.shape_cast %reshape3A_117 : vector<1x256xf32> to vector<1x256xf32>
      %broadcast_in_dim3A_119 = vector.broadcast %broadcast_in_dim3A_118 : vector<1x256xf32> to vector<16x256xf32>
      %sub3A_120 = arith.subf %broadcast_in_dim3A_119, %broadcast_in_dim3A_71 : vector<16x256xf32>
      %mul3A_121 = arith.mulf %sub3A_120, %sub3A_120 : vector<16x256xf32>
      %add3A_122 = arith.addf %add3A_112, %mul3A_121 : vector<16x256xf32>
      %get3A_123 = arith.constant 2 : index
      %get3A_124 = arith.index_cast %add3A_101 : i32 to index
      %get3A_125 = vector.load %arg8[%get3A_123, %get3A_124] : memref<8x12800xf32, #tpu.memory_space<vmem>>, vector<1x256xf32>
      %get3A_126 = vector.shape_cast %get3A_125 : vector<1x256xf32> to vector<256xf32>
      %reshape3A_127 = vector.shape_cast %get3A_126 : vector<256xf32> to vector<1x256xf32>
      %broadcast_in_dim3A_128 = vector.shape_cast %reshape3A_127 : vector<1x256xf32> to vector<1x256xf32>
      %broadcast_in_dim3A_129 = vector.broadcast %broadcast_in_dim3A_128 : vector<1x256xf32> to vector<16x256xf32>
      %sub3A_130 = arith.subf %broadcast_in_dim3A_129, %broadcast_in_dim3A_76 : vector<16x256xf32>
      %mul3A_131 = arith.mulf %sub3A_130, %sub3A_130 : vector<16x256xf32>
      %add3A_132 = arith.addf %add3A_122, %mul3A_131 : vector<16x256xf32>
      %sqrt3A = math.sqrt %add3A_132 : vector<16x256xf32>
      %div3A_133 = arith.constant 1.000000e-01 : f32
      %div3A_134 = vector.broadcast %div3A_133 : f32 to vector<16x256xf32>
      %div3A_135 = arith.divf %sqrt3A, %div3A_134 : vector<16x256xf32>
      %sub3A_136 = arith.constant 1.000000e+00 : f32
      %sub3A_137 = vector.broadcast %sub3A_136 : f32 to vector<16x256xf32>
      %sub3A_138 = arith.subf %sub3A_137, %div3A_135 : vector<16x256xf32>
      %max3A = arith.constant 0.000000e+00 : f32
      %max3A_139 = vector.broadcast %max3A : f32 to vector<16x256xf32>
      %max3A_140 = arith.maximumf %sub3A_138, %max3A_139 : vector<16x256xf32>
      %broadcast_in_dim3A_141 = vector.shape_cast %max3A_140 : vector<16x256xf32> to vector<1x16x256xf32>
      %broadcast_in_dim3A_142 = vector.shape_cast %broadcast_in_dim3A_141 : vector<1x16x256xf32> to vector<1x16x256xf32>
      %broadcast_in_dim3A_143 = vector.broadcast %broadcast_in_dim3A_142 : vector<1x16x256xf32> to vector<8x16x256xf32>
      %reshape3A_144 = vector.shape_cast %broadcast_in_dim3A_143 : vector<8x16x256xf32> to vector<128x256xf32>
      %jit3A_145 = arith.constant 0.000000e+00 : f32
      %broadcast_in_dim3A_146 = vector.broadcast %jit3A_145 : f32 to vector<128x256xf32>
      %select_n3A_147 = arith.select %eq3A, %reshape3A_144, %broadcast_in_dim3A_146 : vector<128x256xi1>, vector<128x256xf32>
      %convert_element_type3A = arith.truncf %select_n3A_147 : vector<128x256xf32> to vector<128x256xbf16>
      %get3A_148 = arith.index_cast %add3A_101 : i32 to index
      %get3A_149 = arith.constant 0 : index
      %get3A_150 = vector.load %arg3[%get3A_148, %get3A_149] : memref<12800x128xf32, #tpu.memory_space<vmem>>, vector<256x128xf32>
      %convert_element_type3A_151 = arith.truncf %get3A_150 : vector<256x128xf32> to vector<256x128xbf16>
      %dot_general3A_152 = arith.constant dense<0.000000e+00> : vector<128x128xf32>
      %dot_general3A_153 = tpu.matmul %convert_element_type3A, %convert_element_type3A_151, %dot_general3A_152 {dimension_numbers = #tpu.dot_dimension_numbers<[1], [0], [0], [1], [0, 0, 1, 1], [], []>, transpose_lhs_hint = false} : vector<128x256xbf16>, vector<256x128xbf16>, vector<128x128xf32> -> vector<128x128xf32>
      %reshape3A_154 = vector.shape_cast %dot_general3A_153 : vector<128x128xf32> to vector<8x2048xf32>
      %add3A_155 = arith.constant 256 : i32
      %add3A_156 = arith.addi %multiple_of3A, %add3A_155 : i32
      %broadcast_in_dim3A_157 = arith.constant 0.000000e+00 : f32
      %broadcast_in_dim3A_158 = vector.broadcast %broadcast_in_dim3A_157 : f32 to vector<16x256xf32>
      %get3A_159 = arith.constant 0 : index
      %get3A_160 = arith.index_cast %add3A_156 : i32 to index
      %get3A_161 = vector.load %arg8[%get3A_159, %get3A_160] : memref<8x12800xf32, #tpu.memory_space<vmem>>, vector<1x256xf32>
      %get3A_162 = vector.shape_cast %get3A_161 : vector<1x256xf32> to vector<256xf32>
      %reshape3A_163 = vector.shape_cast %get3A_162 : vector<256xf32> to vector<1x256xf32>
      %broadcast_in_dim3A_164 = vector.shape_cast %reshape3A_163 : vector<1x256xf32> to vector<1x256xf32>
      %broadcast_in_dim3A_165 = vector.broadcast %broadcast_in_dim3A_164 : vector<1x256xf32> to vector<16x256xf32>
      %sub3A_166 = arith.subf %broadcast_in_dim3A_165, %broadcast_in_dim3A_66 : vector<16x256xf32>
      %mul3A_167 = arith.mulf %sub3A_166, %sub3A_166 : vector<16x256xf32>
      %add3A_168 = arith.addf %broadcast_in_dim3A_158, %mul3A_167 : vector<16x256xf32>
      %get3A_169 = arith.constant 1 : index
      %get3A_170 = arith.index_cast %add3A_156 : i32 to index
      %get3A_171 = vector.load %arg8[%get3A_169, %get3A_170] : memref<8x12800xf32, #tpu.memory_space<vmem>>, vector<1x256xf32>
      %get3A_172 = vector.shape_cast %get3A_171 : vector<1x256xf32> to vector<256xf32>
      %reshape3A_173 = vector.shape_cast %get3A_172 : vector<256xf32> to vector<1x256xf32>
      %broadcast_in_dim3A_174 = vector.shape_cast %reshape3A_173 : vector<1x256xf32> to vector<1x256xf32>
      %broadcast_in_dim3A_175 = vector.broadcast %broadcast_in_dim3A_174 : vector<1x256xf32> to vector<16x256xf32>
      %sub3A_176 = arith.subf %broadcast_in_dim3A_175, %broadcast_in_dim3A_71 : vector<16x256xf32>
      %mul3A_177 = arith.mulf %sub3A_176, %sub3A_176 : vector<16x256xf32>
      %add3A_178 = arith.addf %add3A_168, %mul3A_177 : vector<16x256xf32>
      %get3A_179 = arith.constant 2 : index
      %get3A_180 = arith.index_cast %add3A_156 : i32 to index
      %get3A_181 = vector.load %arg8[%get3A_179, %get3A_180] : memref<8x12800xf32, #tpu.memory_space<vmem>>, vector<1x256xf32>
      %get3A_182 = vector.shape_cast %get3A_181 : vector<1x256xf32> to vector<256xf32>
      %reshape3A_183 = vector.shape_cast %get3A_182 : vector<256xf32> to vector<1x256xf32>
      %broadcast_in_dim3A_184 = vector.shape_cast %reshape3A_183 : vector<1x256xf32> to vector<1x256xf32>
      %broadcast_in_dim3A_185 = vector.broadcast %broadcast_in_dim3A_184 : vector<1x256xf32> to vector<16x256xf32>
      %sub3A_186 = arith.subf %broadcast_in_dim3A_185, %broadcast_in_dim3A_76 : vector<16x256xf32>
      %mul3A_187 = arith.mulf %sub3A_186, %sub3A_186 : vector<16x256xf32>
      %add3A_188 = arith.addf %add3A_178, %mul3A_187 : vector<16x256xf32>
      %sqrt3A_189 = math.sqrt %add3A_188 : vector<16x256xf32>
      %div3A_190 = arith.constant 1.000000e-01 : f32
      %div3A_191 = vector.broadcast %div3A_190 : f32 to vector<16x256xf32>
      %div3A_192 = arith.divf %sqrt3A_189, %div3A_191 : vector<16x256xf32>
      %sub3A_193 = arith.constant 1.000000e+00 : f32
      %sub3A_194 = vector.broadcast %sub3A_193 : f32 to vector<16x256xf32>
      %sub3A_195 = arith.subf %sub3A_194, %div3A_192 : vector<16x256xf32>
      %max3A_196 = arith.constant 0.000000e+00 : f32
      %max3A_197 = vector.broadcast %max3A_196 : f32 to vector<16x256xf32>
      %max3A_198 = arith.maximumf %sub3A_195, %max3A_197 : vector<16x256xf32>
      %broadcast_in_dim3A_199 = vector.shape_cast %max3A_198 : vector<16x256xf32> to vector<1x16x256xf32>
      %broadcast_in_dim3A_200 = vector.shape_cast %broadcast_in_dim3A_199 : vector<1x16x256xf32> to vector<1x16x256xf32>
      %broadcast_in_dim3A_201 = vector.broadcast %broadcast_in_dim3A_200 : vector<1x16x256xf32> to vector<8x16x256xf32>
      %reshape3A_202 = vector.shape_cast %broadcast_in_dim3A_201 : vector<8x16x256xf32> to vector<128x256xf32>
      %jit3A_203 = arith.constant 0.000000e+00 : f32
      %broadcast_in_dim3A_204 = vector.broadcast %jit3A_203 : f32 to vector<128x256xf32>
      %select_n3A_205 = arith.select %eq3A, %reshape3A_202, %broadcast_in_dim3A_204 : vector<128x256xi1>, vector<128x256xf32>
      %convert_element_type3A_206 = arith.truncf %select_n3A_205 : vector<128x256xf32> to vector<128x256xbf16>
      %get3A_207 = arith.index_cast %add3A_156 : i32 to index
      %get3A_208 = arith.constant 0 : index
      %get3A_209 = vector.load %arg3[%get3A_207, %get3A_208] : memref<12800x128xf32, #tpu.memory_space<vmem>>, vector<256x128xf32>
      %convert_element_type3A_210 = arith.truncf %get3A_209 : vector<256x128xf32> to vector<256x128xbf16>
      %dot_general3A_211 = arith.constant dense<0.000000e+00> : vector<128x128xf32>
      %dot_general3A_212 = tpu.matmul %convert_element_type3A_206, %convert_element_type3A_210, %dot_general3A_211 {dimension_numbers = #tpu.dot_dimension_numbers<[1], [0], [0], [1], [0, 0, 1, 1], [], []>, transpose_lhs_hint = false} : vector<128x256xbf16>, vector<256x128xbf16>, vector<128x128xf32> -> vector<128x128xf32>
      %reshape3A_213 = vector.shape_cast %dot_general3A_212 : vector<128x128xf32> to vector<8x2048xf32>
      %mul3A_214 = arith.constant 2 : i32
      %mul3A_215 = arith.muli %scan3A_96, %mul3A_214 : i32
      %mul3A_216 = arith.constant 8 : i32
      %mul3A_217 = arith.muli %mul3A_215, %mul3A_216 : i32
      %multiple_of3A_218 = tpu.assume_multiple %mul3A_217, 16 : i32
      %concatenate3A = tpu.concatenate %reshape3A_154, %reshape3A_213 in 0 : vector<8x2048xf32>, vector<8x2048xf32> -> vector<16x2048xf32>
      %convert_element_type3A_219 = arith.truncf %concatenate3A : vector<16x2048xf32> to vector<16x2048xbf16>
      %swap3A_220 = arith.index_cast %multiple_of3A_218 : i32 to index
      %swap3A_221 = arith.constant 0 : index
      %swap3A_222 = vector.load %arg7[%swap3A_220, %swap3A_221] : memref<400x2048xbf16, #tpu.memory_space<vmem>>, vector<16x2048xbf16>
      tpu.vector_store %arg7[%swap3A_220, %swap3A_221], %convert_element_type3A_219 {strides = array<i32>} : memref<400x2048xbf16, #tpu.memory_space<vmem>>, vector<16x2048xbf16>,
    }
    %scan3A_80 = arith.constant 25 : i32
    %get3A_81 = arith.constant 0 : index
    %get3A_82 = arith.constant 0 : index
    %get3A_83 = vector.load %arg7[%get3A_81, %get3A_82] : memref<400x2048xbf16, #tpu.memory_space<vmem>>, vector<400x2048xbf16>
    %get3A_84 = arith.constant 0 : index
    %get3A_85 = arith.constant 0 : index
    %get3A_86 = vector.load %arg5[%get3A_84, %get3A_85] : memref<2048x128xbf16, #tpu.memory_space<vmem>>, vector<2048x128xbf16>
    %dot_general3A = arith.constant dense<0.000000e+00> : vector<400x128xf32>
    %dot_general3A_87 = tpu.matmul %get3A_83, %get3A_86, %dot_general3A {dimension_numbers = #tpu.dot_dimension_numbers<[1], [0], [0], [1], [0, 0, 1, 1], [], []>, transpose_lhs_hint = false} : vector<400x2048xbf16>, vector<2048x128xbf16>, vector<400x128xf32> -> vector<400x128xf32>
    %ge3A = arith.constant 0.000000e+00 : f32
    %ge3A_88 = vector.broadcast %ge3A : f32 to vector<400x128xf32>
    %ge3A_89 = arith.cmpf oge, %dot_general3A_87, %ge3A_88 : vector<400x128xf32>
    %mul3A = arith.constant 1.000000e-01 : f32
    %mul3A_90 = vector.broadcast %mul3A : f32 to vector<400x128xf32>
    %mul3A_91 = arith.mulf %mul3A_90, %dot_general3A_87 : vector<400x128xf32>
    %select_n3A_92 = arith.select %ge3A_89, %dot_general3A_87, %mul3A_91 : vector<400x128xi1>, vector<400x128xf32>
    %swap3A_93 = arith.constant 0 : index
    %swap3A_94 = arith.constant 0 : index
    %swap3A_95 = vector.load %arg6[%swap3A_93, %swap3A_94] : memref<400x128xf32, #tpu.memory_space<vmem>>, vector<400x128xf32>
    tpu.vector_store %arg6[%swap3A_93, %swap3A_94], %select_n3A_92 {strides = array<i32>} : memref<400x128xf32, #tpu.memory_space<vmem>>, vector<400x128xf32>,
    return
  }
  func.func @transform_0(%arg0: i32) -> (i32, i32) {
    %c0_i32 = arith.constant 0 : i32
    %c0_i32_0 = arith.constant 0 : i32
    return %c0_i32, %arg0 : i32, i32
  }
  func.func @transform_1(%arg0: i32) -> (i32, i32) {
    %c0_i32 = arith.constant 0 : i32
    %c0_i32_0 = arith.constant 0 : i32
    return %c0_i32, %arg0 : i32, i32
  }
  func.func @transform_2(%arg0: i32) -> (i32, i32) {
    %c0_i32 = arith.constant 0 : i32
    %c0_i32_0 = arith.constant 0 : i32
    return %arg0, %c0_i32 : i32, i32
  }
  func.func @transform_3(%arg0: i32) -> (i32, i32) {
    %c0_i32 = arith.constant 0 : i32
    %c0_i32_0 = arith.constant 0 : i32
    %c0_i32_1 = arith.constant 0 : i32
    return %c0_i32, %c0_i32_0 : i32, i32
  }
  func.func @transform_4(%arg0: i32) -> (i32, i32) {
    %c0_i32 = arith.constant 0 : i32
    %c0_i32_0 = arith.constant 0 : i32
    %c0_i32_1 = arith.constant 0 : i32
    return %c0_i32, %c0_i32_0 : i32, i32
  }
  func.func @transform_5(%arg0: i32) -> (i32, i32) {
    %c0_i32 = arith.constant 0 : i32
    %c0_i32_0 = arith.constant 0 : i32
    return %arg0, %c0_i32 : i32, i32
  }
}

</mosaic_0001>

<sc_bundles>
// kernel: kernel.4.cloned.1.call-start
scs
__scs_entry_jumppad:
0x0: {  	(pc) =	sbr.rel $0x88, $3  }
0x1: {  	(tag) =	ssettag $0x0;
	lr =	simm.s32 $0x1  }
0x2: {  	[smem:$0x3F9B] =	sst lr;
	_ =	strace $0xD0000000  }
0x3: {  	_ = 	snop  }
0x4: {  	_ = 	snop  }
0x5: {  	_ = 	snop  }
0x6: {  	_ = 	snop  }
0x7: {  	_ = 	snop  }
__scs_overlays_trampoline_lowered:
0x8: {  	[smem:$0x3FAA] =	sst s0  }
0x9: {  	[smem:$0x3FAB] =	sst s1  }
0xa: {  	[smem:$0x3FAC] =	sst s2  }
0xb: {  	[smem:$0x3FAD] =	sst s3  }
0xc: {  	[smem:$0x3FAE] =	sst s4  }
0xd: {  	[smem:$0x3FAF] =	sst s5  }
0xe: {  	[smem:$0x3FB0] =	sst s6  }
0xf: {  	[smem:$0x3FB1] =	sst s7  }
0x10: {  	[smem:$0x3FB2] =	sst s8  }
0x11: {  	[smem:$0x3FB3] =	sst s9;
	s0 =	simm.s32 @!p0 $0x0  }
0x12: {  	s1 =	sld [smem:$0x3F99];
	s0 =	simm.s32 @p0 $0x1  }
0x13: {  	[smem:$0x3FB4] =	sst s0;
	s0 =	simm.s32 @!p1 $0x0  }
0x14: {  	s2 =	sld [smem:$0x3F98];
	s0 =	simm.s32 @p1 $0x1  }
0x15: {  	[smem:$0x3FB5] =	sst s0;
	s0 =	simm.s32 @!p2 $0x0  }
0x16: {  	s3 =	sld [smem:$0x3FDB];
	s0 =	simm.s32 @p2 $0x1  }
0x17: {  	s4 =	simm.s32 $0x1BF5;
	[smem:$0x3FB7] =	sst s0  }
0x18: {  	s0 =	sld [smem:$0x3F9A];
	_ =	swait.ge [sflag:s4], $0x0  }
0x19: {  	s7 =	sld [smem:$0x3F9B]  }
0x1a: {  	s8 =	sadd.s32 $0xFFFFE003, lr  }
0x1b: {  	s9 =	sadd.s32 $0xFFFFFEF7, lr;
	s5 =	simm.s32 $0xFFFFFFFF;
	p2 =	slt.u32 s8, $0xFFFFF086  }
0x1c: {  	p1 =	slt.u32 s9, $0xF7A;
	s5 =	simm.s32 @!p2 $0x0  }
0x1d: {  	s5 =	simm.s32 @p1 $0x1;
	p0 =	seq.s32 s7, s2  }
0x1e: {  	s7 =	smul.u32 @!p0 $0xF7A, s2;
	p2 =	seq.s32 @!p0 s5, $0x0  }
0x1f: {  	s9 =	smul.u32 $0xF7A, s1;
	s8 =	simm.s32 @!p0 $0x1BF5;
	p2 =	por !p2, p0  }
0x20: {  	[sflag:s8] =	ssyncset.s32 @!p0 $0xFFFFF086;
	s6 =	sadd.s32 @!p0 s3, s7;
	s7 =	simm.s32 @!p0 $0x108  }
0x21: {  	s3 =	sadd.s32 s3, s9;
	s6 =	sadd.s32 @!p0 $0x88, s6;
	s7 =	simm.s32 @p2 $0x1082  }
0x22: {  	[simem:s7], [sflag:s8] =	dma.local @!p0 [hbm:s6], $0xF7A  }
0x23: {  	s9 =	sor.u32 $0xD0000000, s2;
	s6 =	simm.s32 $0x108;
	_ =	swait.ge @!p0 [sflag:s8], $0x0  }
0x24: {  	s3 =	sadd.s32 $0x88, s3;
	s6 =	simm.s32 @!p1 $0x1082;
	[sflag:s4] =	ssyncset.s32 $0xFFFFF086  }
0x25: {  	[simem:s6], [sflag:s4] =	dma.local [hbm:s3], $0xF7A  }
0x26: {  	[smem:$0x3F9B] =	sst s1;
	(tag) =	ssettag s2;
	_ =	strace s9  }
0x27: {  	s1 =	sld [smem:$0x3FAB]  }
0x28: {  	s2 =	sld [smem:$0x3FAC]  }
0x29: {  	s4 =	sld [smem:$0x3FAE]  }
0x2a: {  	p0 =	seq.s32 s5, $0x0;
	s5 =	sld [smem:$0x3FAF]  }
0x2b: {  	s6 =	sld [smem:$0x3FB0]  }
0x2c: {  	s7 =	sld [smem:$0x3FB1]  }
0x2d: {  	s3 =	simm.s32 $0x108;
	s8 =	sld [smem:$0x3FB2]  }
0x2e: {  	s3 =	simm.s32 @!p0 $0x1082;
	s9 =	sld [smem:$0x3FB3]  }
0x2f: {  	lr =	sadd.s32 s0, s3;
	s0 =	sld [smem:$0x3FAA]  }
0x30: {  	s3 =	sld [smem:$0x3FAD]  }
0x31: {  	[smem:$0x3FB6] =	sst s10  }
0x32: {  	s10 =	sld [smem:$0x3FB4];
	_ =	sdelay $0x3  }
0x33: {  	p0 =	seq.s32 s10, $0x1;
	s10 =	sld [smem:$0x3FB6];
	_ =	sdelay $0x3  }
0x34: {  	[smem:$0x3FB6] =	sst s10  }
0x35: {  	s10 =	sld [smem:$0x3FB5];
	_ =	sdelay $0x3  }
0x36: {  	p1 =	seq.s32 s10, $0x1;
	s10 =	sld [smem:$0x3FB6];
	_ =	sdelay $0x3  }
0x37: {  	[smem:$0x3FB6] =	sst s10  }
0x38: {  	s10 =	sld [smem:$0x3FB7]  }
0x39: {  	_ = 	snop;
	(pc) =	sbr.ind lr, $3  }
0x3a: {  	_ = 	snop  }
0x3b: {  	_ = 	snop  }
0x3c: {  	p2 =	seq.s32 s10, $0x1;
	s10 =	sld [smem:$0x3FB6]  }
0x3d: {  	_ =	shalt  }
0x3e: {  	_ =	shalt  }
0x3f: {  	_ =	shalt  }
0x40: {  	_ =	shalt  }
0x41: {  	_ =	shalt  }
0x42: {  	_ =	shalt  }
0x43: {  	_ =	shalt  }
0x44: {  	_ =	shalt  }
0x45: {  	_ =	shalt  }
0x46: {  	_ =	shalt  }
0x47: {  	_ =	shalt  }
0x48: {  	_ =	shalt  }
0x49: {  	_ =	shalt  }
0x4a: {  	_ =	shalt  }
0x4b: {  	_ =	shalt  }
0x4c: {  	_ =	shalt  }
0x4d: {  	_ =	shalt  }
0x4e: {  	_ =	shalt  }
0x4f: {  	_ =	shalt  }
0x50: {  	_ =	shalt  }
0x51: {  	_ =	shalt  }
0x52: {  	_ =	shalt  }
0x53: {  	_ =	shalt  }
0x54: {  	_ =	shalt  }
0x55: {  	_ =	shalt  }
0x56: {  	_ =	shalt  }
0x57: {  	_ =	shalt  }
0x58: {  	_ =	shalt  }
0x59: {  	_ =	shalt  }
0x5a: {  	_ =	shalt  }
0x5b: {  	_ =	shalt  }
0x5c: {  	_ =	shalt  }
0x5d: {  	_ =	shalt  }
0x5e: {  	_ =	shalt  }
0x5f: {  	_ =	shalt  }
0x60: {  	_ =	shalt  }
0x61: {  	_ =	shalt  }
0x62: {  	_ =	shalt  }
0x63: {  	_ =	shalt  }
0x64: {  	_ =	shalt  }
0x65: {  	_ =	shalt  }
0x66: {  	_ =	shalt  }
0x67: {  	_ =	shalt  }
0x68: {  	_ =	shalt  }
0x69: {  	_ =	shalt  }
0x6a: {  	_ =	shalt  }
0x6b: {  	_ =	shalt  }
0x6c: {  	_ =	shalt  }
0x6d: {  	_ =	shalt  }
0x6e: {  	_ =	shalt  }
0x6f: {  	_ =	shalt  }
0x70: {  	_ =	shalt  }
0x71: {  	_ =	shalt  }
0x72: {  	_ =	shalt  }
0x73: {  	_ =	shalt  }
0x74: {  	_ =	shalt  }
0x75: {  	_ =	shalt  }
0x76: {  	_ =	shalt  }
0x77: {  	_ =	shalt  }
0x78: {  	_ =	shalt  }
0x79: {  	_ =	shalt  }
0x7a: {  	_ =	shalt  }
0x7b: {  	_ =	shalt  }
0x7c: {  	_ =	shalt  }
0x7d: {  	_ =	shalt  }
0x7e: {  	_ =	shalt  }
0x7f: {  	_ =	shalt  }
0x80: {  	_ =	shalt  }
0x81: {  	_ =	shalt  }
0x82: {  	_ =	shalt  }
0x83: {  	_ =	shalt  }
0x84: {  	_ =	shalt  }
0x85: {  	_ =	shalt  }
0x86: {  	_ =	shalt  }
0x87: {  	_ =	shalt  }
.Lfunc_end0:
.L_simem_size_0:
called_computation_lowered:
.L_overlay_start_0:
0x88: {  	s2 =	sld [smem:$0x3FD9]  }
0x89: {  	s3 =	sld [smem:$0x3FFE];
	_ =	sdelay $0x1  }
0x8a: {  	s1 =	srdreg.scid  }
0x8b: {  	s0 =	sand.u32 $0x1, s1  }
0x8c: {  	s17 =	sshll.u32 s0, $0xA;
	s2 =	sadd.s32 s3, s2  }
0x8d: {  	s2 =	sadd.s32 s2, s17  }
0x8e: {  	[smem:$0x3FC2] =	sst s2  }
0x8f: {  	_ = 	snop  }
0x90: {  	s2 =	sld [smem:$0x3FC7]  }
0x91: {  	s18 =	sld [smem:$0x3FD0];
	(tm) =	ssettm $0x1  }
0x92: {  	s4 =	sld [smem:$0x3FFB];
	_ =	sdelay $0x3  }
0x93: {  	_ =	strace s4  }
0x94: {  	s4 =	sld [smem:$0x3FFC];
	_ =	sdelay $0x3  }
0x95: {  	_ =	strace s4  }
0x96: {  	s4 =	sld [smem:$0x3FFD];
	_ =	sdelay $0x3  }
0x97: {  	_ =	strace s4  }
0x98: {  	_ =	strace $0x8FFFFFFF  }
0x99: {  	s19 =	sld [smem:$0x3FDB];
	_ =	sdelay $0x1  }
0x9a: {  	s5 =	simm.s32 $_scs_section_size  }
0x9b: {  	s6 =	simm.s32 $_size__tile_overlayer_lowered;
	s7 =	simm.s32 $_tile_overlayer_lowered  }
0x9c: {  	s22 =	simm.s32 $0x1BFF;
	s21 =	sshll.u32 s7, $0x1;
	s4 =	sadd.s32 s5, s19  }
0x9d: {  	s8 =	simm.s32 $0x0;
	s20 =	sshll.u32 s6, $0x1;
	s6 =	sadd.s32 s21, s4  }
0x9e: {  	[timem:s8], [sflag:s22] =	dma.local [hbm:s6], s20  }
0x9f: {  	_ =	swait.ge [sflag:s22], s20  }
0xa0: {  	s5 =	ssub.s32 $0x0, s20;
	[sflag:s22] =	ssyncset.done $0x0  }
0xa1: {  	[sflag:s22] =	ssyncadd.s32 s5;
	_ =	sdelay $0x1  }
0xa2: {  	s23 =	simm.s32 $0x1B8B  }
0xa3: {  	_ =	swait.ge [sflag:s23], $0x1  }
0xa4: {  	[sflag:s23] =	ssyncset.done $0x0  }
0xa5: {  	s25 =	simm.s32 $0x1B8E;
	s24 =	sld [smem:$0x3FFE];
	[sflag:s23] =	ssyncadd.s32 $0xFFFFFFFF  }
0xa6: {  	s26 =	simm.s32 $execute0_lowered;
	[smem:$0x3FD2] =	sst s25  }
0xa7: {  	s6 =	sshll.u32 s26, $0x1;
	_ =	strace $0x80000046;
	[dreg:$0x1] =	wrdreg $0xFFFFFFFF  }
0xa8: {  	s28 =	simm.s32 $_size_execute0_lowered;
	s4 =	sadd.s32 s4, s6;
	[dreg:$0x0] =	wrdreg $0x0  }
0xa9: {  	s6 =	sshll.u32 s28, $0x1;
	[dreg:$0x2] =	wrdreg s4  }
0xaa: {  	[dreg:$0x3] =	wrdreg s6  }
0xab: {  	[dreg:$0x4] =	wrdreg $0xC0  }
0xac: {  	_ =	task [dreg:s8], $0x5FFFF  }
0xad: {  	[dreg:$0x1] =	wrdreg $0xFFFFFFFF  }
0xae: {  	[dreg:$0x0] =	wrdreg $0x60  }
0xaf: {  	[dreg:$0x2] =	wrdreg s24  }
0xb0: {  	[dreg:$0x3] =	wrdreg s2  }
0xb1: {  	[dreg:$0x4] =	wrdreg s18  }
0xb2: {  	[dreg:$0x5] =	wrdreg $0x9  }
0xb3: {  	_ =	task.clear_ibuf [dreg:s8], $0x6FFFF;
	_ =	strace $0x90000046  }
0xb4: {  	s29 =	simm.s32 $0x9;
	_ =	strace $0x80000048  }
0xb5: {  	_ =	swait.ge [sflag:s29], $0x1  }
0xb6: {  	[sflag:s29] =	ssyncadd.s32 $0xFFFFFFFF  }
0xb7: {  	_ =	strace $0x90000048  }
0xb8: {  	_ =	sfence  }
0xb9: {  	s30 =	sld [smem:$0x0];
	_ =	sdelay $0x2  }
0xba: {  	s31 =	sshll.u32 s1, $0xD;
	s1 =	sshrl.u32 s1, $0x2  }
0xbb: {  	s3 =	sand.u32 $0x4000, s31;
	s1 =	sadd.s32 s1, s30  }
0xbc: {  	s0 =	sor.u32 s3, s0;
	s1 =	sshll.u32 s1, $0x11  }
0xbd: {  	s0 =	sor.u32 s1, s0  }
0xbe: {  	s0 =	sadd.s32 $0x8F2B, s0  }
0xbf: {  	[sflag:s0] =	ssyncadd.remote.s32 $0x1  }
0xc0: {  	_ =	sfence.sel $0xFFFF  }
0xc1: {  	[dreg:$0x0] =	wrdreg $0xFFFFFFFF;
	(pc) =	sbr.abs _section_cstart, $3  }
0xc2: {  	[dreg:$0x1] =	wrdreg $0xFFFFFFFF  }
0xc3: {  	_ =	task.clear_ibuf [dreg:s8], $0x2FFFF;
	_ =	strace $0x9FFFFFFF  }
0xc4: {  	(tm) =	ssettm $0x7FFFFFFF  }
0xc5: {  	_ =	shalt  }
tec
execute0_lowered:
.L_overlay_start_1:
0x0: {  	(tag) =	ssettag $0x1  }
0x1: {  	s0 =	rddreg [dreg:$0x0]  }
0x2: {  	s1 =	rddreg [dreg:$0x1]  }
0x3: {  	s2 =	rddreg [dreg:$0x2];
	s3 =	simm.s32 $0x0  }
0x4: {  	s4 =	srdreg.scid;
	s11 =	stileid.u32;
	s14 =	simm.s32 $0x50  }
0x5: {  	s15 =	simm.s32 $0x2710;
	s16 =	simm.s32 $0x3610;
	s17 =	simm.s32 $0x2C10  }
0x6: {  	s18 =	simm.s32 $0x5E10;
	s28 =	simm.s32 $0x3390;
	s31 =	simm.s32 $0x0  }
0x7: {  	[smem:$0x7FF] =	sst s3;
	s5 =	sand.u32 $0x1, s4;
	s19 =	smul.u32 $0x4E200, s11  }
0x8: {  	s6 =	sshll.u32 s11, $0x1;
	s4 =	sadd.s32 $0x1000, s0;
	s11 =	smul.u32 $0x4E20, s11  }
0x9: {  	s8 =	sadd.s32 $0x6000, s0;
	s0 =	sadd.s32 $0x54200, s0;
	s21 =	smul.u32 $0x2710, s5  }
0xa: {  	s7 =	ssub.s32 $0x2, s5;
	s6 =	sor.u32 s5, s6;
	s5 =	smul.u32 $0x27100, s5  }
0xb: {  	_ =	strace $0x80000047;
	s9 =	sshrl.u32 s7, $0x1;
	s6 =	smul.u32 $0x2710, s6  }
0xc: {  	s23 =	sadd.s32 s19, s0;
	s19 =	simm.s32 $0x1;
	s7 =	ssub.s32 s7, s9  }
0xd: {  	s24 =	sadd.s32 s21, s11;
	s21 =	simm.s32 $0x4E200;
	s10 =	sshrl.u32 s6, $0x3  }
0xe: {  	s6 =	sadd.s32 $0x26C0, s6;
	s25 =	smax.u32 s7, $0x1;
	s26 =	sadd.s32 $0x50, s24  }
0xf: {  	v0 =	vlaneseq.u32;
	s29 =	sshrl.u32 s24, $0x3;
	s24 =	simm.s32 $0x7;
	s2 =	sadd.s32 s2, s10  }
0x10: {  	v0 =	vmul.u32 $0x10, v0;
	s20 =	sshrl.u32 s6, $0x3;
	s22 =	sshll.u32 s6, $0x4;
	[dreg:$0x7] =	wrdreg s25  }
0x11: {  	s30 =	sshll.u32 s26, $0x4;
	s25 =	simm.s32 $0x2;
	[dreg:$0x4] =	wrdreg s2  }
0x12: {  	v1 =	vor.u32 $0x100, v0;
	v2 =	vor.u32 $0x200, v0;
	s2 =	sadd.s32 s8, s20;
	s13 =	sadd.s32 s30, s0;
	s20 =	simm.s32 $0x3  }
0x13: {  	v3 =	vor.u32 $0x300, v0;
	v4 =	vor.u32 $0x400, v0;
	v5 =	vor.u32 $0x1, v0;
	[dreg:$0x5] =	wrdreg s2;
	s2 =	sadd.s32 s0, s22;
	s22 =	simm.s32 $0x3110  }
0x14: {  	v6 =	vor.u32 $0x101, v0;
	v7 =	vor.u32 $0x201, v0;
	v8 =	vor.u32 $0x301, v0;
	[dreg:$0x6] =	wrdreg s2;
	s2 =	sadd.s32 s5, s23;
	s5 =	sadd.s32 s29, s8  }
0x15: {  	v9 =	vor.u32 $0x401, v0;
	v10 =	vor.u32 $0x2, v0;
	v11 =	vor.u32 $0x102, v0;
	s23 =	simm.s32 $0x5;
	[dreg:$0x8] =	wrdreg s2;
	s2 =	sshrl.u32 s26, $0x3  }
0x16: {  	v12 =	vor.u32 $0x202, v0;
	v13 =	vor.u32 $0x302, v0;
	v14 =	vor.u32 $0x402, v0;
	[dreg:$0x9] =	wrdreg s5;
	s26 =	simm.s32 $0x4;
	s12 =	sadd.s32 s2, s8  }
.LBB2_1:
0x17: {  	s0 =	rddreg [dreg:$0x4];
	s11 =	simm.s32 $0x9  }
0x18: {  	[tilespmem:s3], [sflag:$0x9] =	stream.linear.gather [hbm4b:s0+s3], $0x2710, $0x38;
	[tilespmem:$0x8610] =	vst v63  }
0x19: {  	_ =	swait.ge [sflag:s11], $0x2710  }
0x1a: {  	[sflag:s11] =	ssyncset.done $0x0  }
0x1b: {  	p0 =	por $0x1, $0x1;
	[sflag:s11] =	ssyncadd.s32 $0xFFFFD8F0  }
0x1c: {  	[tilespmem:s15], [sflag:$0x1] =	stream.indirect.gather [hbm4b:s4+s14], $0x10, s3, s14, $0xb8;
	[tilespmem:$0x8610] =	vst v63  }
0x1d: {  	s0 =	simm.s32 @!p0 $0x6  }
0x1e: {  	[tilespmem:s16], [sflag:$0x3] =	stream.indirect.gather [hbm4b:s1+s14], $0x80, s3, s14, $0xb8;
	[tilespmem:$0x8610] =	vst v63  }
0x1f: {  	_ =	swait.ge @!p0 [sflag:s0], $0x280  }
0x20: {  	[sflag:s0] =	ssyncset.done @!p0 $0x0  }
0x21: {  	[sflag:s0] =	ssyncadd.s32 @!p0 $0xFFFFFD80;
	s0 =	simm.s32 @!p0 $0x8  }
0x22: {  	_ =	swait.ge @!p0 [sflag:s0], $0x2800  }
0x23: {  	[sflag:s0] =	ssyncset.done @!p0 $0x0  }
0x24: {  	s29 =	simm.s32 $0x50;
	[sflag:s0] =	ssyncadd.s32 @!p0 $0xFFFFD800  }
0x25: {  	[tilespmem:s17], [sflag:$0x2] =	stream.indirect.gather [hbm4b:s4+s14], $0x10, s29, s14, $0xb8;
	[tilespmem:$0x8610] =	vst v63  }
0x26: {  	_ = 	snop  }
0x27: {  	[tilespmem:s18], [sflag:$0x4] =	stream.indirect.gather [hbm4b:s1+s14], $0x80, s29, s14, $0xb8;
	[tilespmem:$0x8610] =	vst v63  }
0x28: {  	_ =	swait.ge [sflag:s19], $0x500  }
0x29: {  	[sflag:s19] =	ssyncset.done $0x0  }
0x2a: {  	[sflag:s19] =	ssyncadd.s32 $0xFFFFFB00  }
0x2b: {  	_ =	swait.ge [sflag:s20], $0x2800  }
0x2c: {  	[sflag:s20] =	ssyncset.done $0x0  }
0x2d: {  	[sflag:s20] =	ssyncadd.s32 $0xFFFFD800  }
0x2e: {  	v15 =	vld.idx.msk [tilespmem:v0+s15+$0x0], $0xffff;
	_ =	sdelay $0x4  }
0x2f: {  	[tilespmem:$0x3110] =	vst v15  }
0x30: {  	v15 =	vld.idx.msk [tilespmem:v1+s15+$0x0], $0xffff;
	_ =	sdelay $0x4  }
0x31: {  	[tilespmem:$0x3120] =	vst v15  }
0x32: {  	v15 =	vld.idx.msk [tilespmem:v2+s15+$0x0], $0xffff;
	_ =	sdelay $0x4  }
0x33: {  	[tilespmem:$0x3130] =	vst v15  }
0x34: {  	v15 =	vld.idx.msk [tilespmem:v3+s15+$0x0], $0xffff;
	_ =	sdelay $0x4  }
0x35: {  	[tilespmem:$0x3140] =	vst v15  }
0x36: {  	v15 =	vld.idx.msk [tilespmem:v4+s15+$0x0], $0xffff;
	_ =	sdelay $0x4  }
0x37: {  	[tilespmem:$0x3150] =	vst v15  }
0x38: {  	v15 =	vld.idx.msk [tilespmem:v5+s15+$0x0], $0xffff;
	_ =	sdelay $0x4  }
0x39: {  	[tilespmem:$0x3160] =	vst v15  }
0x3a: {  	v15 =	vld.idx.msk [tilespmem:v6+s15+$0x0], $0xffff;
	_ =	sdelay $0x4  }
0x3b: {  	[tilespmem:$0x3170] =	vst v15  }
0x3c: {  	v15 =	vld.idx.msk [tilespmem:v7+s15+$0x0], $0xffff;
	_ =	sdelay $0x4  }
0x3d: {  	[tilespmem:$0x3180] =	vst v15  }
0x3e: {  	v15 =	vld.idx.msk [tilespmem:v8+s15+$0x0], $0xffff;
	_ =	sdelay $0x4  }
0x3f: {  	[tilespmem:$0x3190] =	vst v15  }
0x40: {  	v15 =	vld.idx.msk [tilespmem:v9+s15+$0x0], $0xffff;
	_ =	sdelay $0x4  }
0x41: {  	[tilespmem:$0x31A0] =	vst v15  }
0x42: {  	v15 =	vld.idx.msk [tilespmem:v10+s15+$0x0], $0xffff;
	_ =	sdelay $0x4  }
0x43: {  	[tilespmem:$0x31B0] =	vst v15  }
0x44: {  	v15 =	vld.idx.msk [tilespmem:v11+s15+$0x0], $0xffff;
	_ =	sdelay $0x4  }
0x45: {  	[tilespmem:$0x31C0] =	vst v15  }
0x46: {  	v15 =	vld.idx.msk [tilespmem:v12+s15+$0x0], $0xffff;
	_ =	sdelay $0x4  }
0x47: {  	[tilespmem:$0x31D0] =	vst v15  }
0x48: {  	v15 =	vld.idx.msk [tilespmem:v13+s15+$0x0], $0xffff;
	_ =	sdelay $0x4  }
0x49: {  	[tilespmem:$0x31E0] =	vst v15  }
0x4a: {  	v15 =	vld.idx.msk [tilespmem:v14+s15+$0x0], $0xffff;
	_ =	sdelay $0x4  }
0x4b: {  	s2 =	rddreg [dreg:$0x9];
	[tilespmem:$0x31F0] =	vst v15  }
0x4c: {  	[hbm4b:s2+s14] =	stream.strided.scatter [tilespmem:s22], [sflag:$0x5], $0x280, s21, s14, $0x38;
	[tilespmem:$0x8610] =	vst v63  }
0x4d: {  	s9 =	rddreg [dreg:$0x8]  }
0x4e: {  	[hbm4b:s9+s3] =	stream.linear.scatter [tilespmem:s16], [sflag:$0x7], $0x2800, $0x38;
	[tilespmem:$0x8610] =	vst v63  }
0x4f: {  	_ =	swait.ge [sflag:s23], $0x280  }
0x50: {  	[sflag:s23] =	ssyncset.done $0x0  }
0x51: {  	[sflag:s23] =	ssyncadd.s32 $0xFFFFFD80  }
0x52: {  	_ =	swait.ge [sflag:s24], $0x2800  }
0x53: {  	[sflag:s24] =	ssyncset.done $0x0  }
0x54: {  	s30 =	simm.s32 $0xA0;
	[sflag:s24] =	ssyncadd.s32 $0xFFFFD800  }
0x55: {  	[tilespmem:s15], [sflag:$0x1] =	stream.indirect.gather [hbm4b:s4+s14], $0x10, s30, s14, $0xb8;
	[tilespmem:$0x8610] =	vst v63  }
0x56: {  	_ = 	snop  }
0x57: {  	[tilespmem:s16], [sflag:$0x3] =	stream.indirect.gather [hbm4b:s1+s14], $0x80, s30, s14, $0xb8;
	[tilespmem:$0x8610] =	vst v63  }
0x58: {  	_ =	swait.ge [sflag:s25], $0x500  }
0x59: {  	[sflag:s25] =	ssyncset.done $0x0  }
0x5a: {  	[sflag:s25] =	ssyncadd.s32 $0xFFFFFB00  }
0x5b: {  	_ =	swait.ge [sflag:s26], $0x2800  }
0x5c: {  	[sflag:s26] =	ssyncset.done $0x0  }
0x5d: {  	[sflag:s26] =	ssyncadd.s32 $0xFFFFD800  }
0x5e: {  	v15 =	vld.idx.msk [tilespmem:v0+s17+$0x0], $0xffff;
	_ =	sdelay $0x4  }
0x5f: {  	[tilespmem:$0x3390] =	vst v15  }
0x60: {  	v15 =	vld.idx.msk [tilespmem:v1+s17+$0x0], $0xffff;
	_ =	sdelay $0x4  }
0x61: {  	[tilespmem:$0x33A0] =	vst v15  }
0x62: {  	v15 =	vld.idx.msk [tilespmem:v2+s17+$0x0], $0xffff;
	_ =	sdelay $0x4  }
0x63: {  	[tilespmem:$0x33B0] =	vst v15  }
0x64: {  	v15 =	vld.idx.msk [tilespmem:v3+s17+$0x0], $0xffff;
	_ =	sdelay $0x4  }
0x65: {  	[tilespmem:$0x33C0] =	vst v15  }
0x66: {  	v15 =	vld.idx.msk [tilespmem:v4+s17+$0x0], $0xffff;
	_ =	sdelay $0x4  }
0x67: {  	[tilespmem:$0x33D0] =	vst v15  }
0x68: {  	v15 =	vld.idx.msk [tilespmem:v5+s17+$0x0], $0xffff;
	_ =	sdelay $0x4  }
0x69: {  	[tilespmem:$0x33E0] =	vst v15  }
0x6a: {  	v15 =	vld.idx.msk [tilespmem:v6+s17+$0x0], $0xffff;
	_ =	sdelay $0x4  }
0x6b: {  	[tilespmem:$0x33F0] =	vst v15  }
0x6c: {  	v15 =	vld.idx.msk [tilespmem:v7+s17+$0x0], $0xffff;
	_ =	sdelay $0x4  }
0x6d: {  	[tilespmem:$0x3400] =	vst v15  }
0x6e: {  	v15 =	vld.idx.msk [tilespmem:v8+s17+$0x0], $0xffff;
	_ =	sdelay $0x4  }
0x6f: {  	[tilespmem:$0x3410] =	vst v15  }
0x70: {  	v15 =	vld.idx.msk [tilespmem:v9+s17+$0x0], $0xffff;
	_ =	sdelay $0x4  }
0x71: {  	[tilespmem:$0x3420] =	vst v15  }
0x72: {  	v15 =	vld.idx.msk [tilespmem:v10+s17+$0x0], $0xffff;
	_ =	sdelay $0x4  }
0x73: {  	[tilespmem:$0x3430] =	vst v15  }
0x74: {  	v15 =	vld.idx.msk [tilespmem:v11+s17+$0x0], $0xffff;
	_ =	sdelay $0x4  }
0x75: {  	[tilespmem:$0x3440] =	vst v15  }
0x76: {  	v15 =	vld.idx.msk [tilespmem:v12+s17+$0x0], $0xffff;
	_ =	sdelay $0x4  }
0x77: {  	[tilespmem:$0x3450] =	vst v15  }
0x78: {  	v15 =	vld.idx.msk [tilespmem:v13+s17+$0x0], $0xffff;
	_ =	sdelay $0x4  }
0x79: {  	[tilespmem:$0x3460] =	vst v15  }
0x7a: {  	v15 =	vld.idx.msk [tilespmem:v14+s17+$0x0], $0xffff;
	_ =	sdelay $0x2  }
0x7b: {  	s7 =	simm.s32 $0x280  }
0x7c: {  	s8 =	simm.s32 $0x500;
	p1 =	por $0x0, $0x0;
	s11 =	smov.u32 s13  }
0x7d: {  	s0 =	sadd.s32 $0x14, s12;
	s5 =	sadd.s32 $0x14, s2;
	s2 =	sadd.s32 $0xA00, s13;
	[tilespmem:$0x3470] =	vst v15  }
0x7e: {  	[hbm4b:s12+s14] =	stream.strided.scatter [tilespmem:s28], [sflag:$0x6], $0x280, s21, s14, $0x38;
	[tilespmem:$0x8610] =	vst v63  }
.LBB2_2:
0x7f: {  	s30 =	simm.s32 @!p1 $0x6;
	s9 =	sadd.s32 $0xA00, s9  }
0x80: {  	s10 =	smov.u32 s8;
	s8 =	sadd.s32 $0x280, s8;
	s29 =	smov.u32 s0  }
0x81: {  	[hbm4b:s11+s3] =	stream.linear.scatter [tilespmem:s18], [sflag:$0x8], $0x2800, $0x38;
	[tilespmem:$0x8610] =	vst v63  }
0x82: {  	p0 =	sne.s32 s8, $0x9B00;
	s11 =	smov.u32 s2;
	_ =	swait.ge @!p1 [sflag:s30], $0x280  }
0x83: {  	[sflag:s30] =	ssyncset.done @!p1 $0x0  }
0x84: {  	s6 =	simm.s32 @!p1 $0x8;
	[sflag:s30] =	ssyncadd.s32 @!p1 $0xFFFFFD80  }
0x85: {  	_ =	swait.ge @!p1 [sflag:s6], $0x2800  }
0x86: {  	s30 =	sshra.s32 s7, $0x2;
	s7 =	smov.u32 s10;
	[sflag:s6] =	ssyncset.done @!p1 $0x0  }
0x87: {  	[sflag:s6] =	ssyncadd.s32 @!p1 $0xFFFFD800;
	s6 =	sadd.s32 $0x50, s30  }
0x88: {  	[tilespmem:s17], [sflag:$0x2] =	stream.indirect.gather [hbm4b:s4+s14], $0x10, s6, s14, $0xb8;
	[tilespmem:$0x8610] =	vst v63  }
0x89: {  	_ = 	snop  }
0x8a: {  	[tilespmem:s18], [sflag:$0x4] =	stream.indirect.gather [hbm4b:s1+s14], $0x80, s6, s14, $0xb8;
	[tilespmem:$0x8610] =	vst v63  }
0x8b: {  	_ =	swait.ge [sflag:s19], $0x500  }
0x8c: {  	[sflag:s19] =	ssyncset.done $0x0  }
0x8d: {  	[sflag:s19] =	ssyncadd.s32 $0xFFFFFB00  }
0x8e: {  	_ =	swait.ge [sflag:s20], $0x2800  }
0x8f: {  	[sflag:s20] =	ssyncset.done $0x0  }
0x90: {  	[sflag:s20] =	ssyncadd.s32 $0xFFFFD800  }
0x91: {  	v15 =	vld.idx.msk [tilespmem:v0+s15+$0x0], $0xffff;
	_ =	sdelay $0x5  }
0x92: {  	[tilespmem:$0x3110] =	vst v15  }
0x93: {  	v15 =	vld.idx.msk [tilespmem:v1+s15+$0x0], $0xffff;
	_ =	sdelay $0x5  }
0x94: {  	[tilespmem:$0x3120] =	vst v15  }
0x95: {  	v15 =	vld.idx.msk [tilespmem:v2+s15+$0x0], $0xffff;
	_ =	sdelay $0x5  }
0x96: {  	[tilespmem:$0x3130] =	vst v15  }
0x97: {  	v15 =	vld.idx.msk [tilespmem:v3+s15+$0x0], $0xffff;
	_ =	sdelay $0x5  }
0x98: {  	[tilespmem:$0x3140] =	vst v15  }
0x99: {  	v15 =	vld.idx.msk [tilespmem:v4+s15+$0x0], $0xffff;
	_ =	sdelay $0x5  }
0x9a: {  	[tilespmem:$0x3150] =	vst v15  }
0x9b: {  	v15 =	vld.idx.msk [tilespmem:v5+s15+$0x0], $0xffff;
	_ =	sdelay $0x5  }
0x9c: {  	[tilespmem:$0x3160] =	vst v15  }
0x9d: {  	v15 =	vld.idx.msk [tilespmem:v6+s15+$0x0], $0xffff;
	_ =	sdelay $0x5  }
0x9e: {  	[tilespmem:$0x3170] =	vst v15  }
0x9f: {  	v15 =	vld.idx.msk [tilespmem:v7+s15+$0x0], $0xffff;
	_ =	sdelay $0x5  }
0xa0: {  	[tilespmem:$0x3180] =	vst v15  }
0xa1: {  	v15 =	vld.idx.msk [tilespmem:v8+s15+$0x0], $0xffff;
	_ =	sdelay $0x5  }
0xa2: {  	[tilespmem:$0x3190] =	vst v15  }
0xa3: {  	v15 =	vld.idx.msk [tilespmem:v9+s15+$0x0], $0xffff;
	_ =	sdelay $0x5  }
0xa4: {  	[tilespmem:$0x31A0] =	vst v15  }
0xa5: {  	v15 =	vld.idx.msk [tilespmem:v10+s15+$0x0], $0xffff;
	_ =	sdelay $0x5  }
0xa6: {  	[tilespmem:$0x31B0] =	vst v15  }
0xa7: {  	v15 =	vld.idx.msk [tilespmem:v11+s15+$0x0], $0xffff;
	_ =	sdelay $0x5  }
0xa8: {  	[tilespmem:$0x31C0] =	vst v15  }
0xa9: {  	v15 =	vld.idx.msk [tilespmem:v12+s15+$0x0], $0xffff;
	_ =	sdelay $0x5  }
0xaa: {  	[tilespmem:$0x31D0] =	vst v15  }
0xab: {  	v15 =	vld.idx.msk [tilespmem:v13+s15+$0x0], $0xffff;
	_ =	sdelay $0x5  }
0xac: {  	[tilespmem:$0x31E0] =	vst v15  }
0xad: {  	v15 =	vld.idx.msk [tilespmem:v14+s15+$0x0], $0xffff;
	_ =	sdelay $0x5  }
0xae: {  	[tilespmem:$0x31F0] =	vst v15  }
0xaf: {  	[hbm4b:s5+s14] =	stream.strided.scatter [tilespmem:s22], [sflag:$0x5], $0x280, s21, s14, $0x38;
	[tilespmem:$0x8610] =	vst v63  }
0xb0: {  	_ = 	snop  }
0xb1: {  	[hbm4b:s9+s3] =	stream.linear.scatter [tilespmem:s16], [sflag:$0x7], $0x2800, $0x38;
	[tilespmem:$0x8610] =	vst v63  }
0xb2: {  	_ =	swait.ge [sflag:s23], $0x280  }
0xb3: {  	[sflag:s23] =	ssyncset.done $0x0  }
0xb4: {  	[sflag:s23] =	ssyncadd.s32 $0xFFFFFD80  }
0xb5: {  	_ =	swait.ge [sflag:s24], $0x2800  }
0xb6: {  	[sflag:s24] =	ssyncset.done $0x0  }
0xb7: {  	s6 =	sadd.s32 $0xA0, s30;
	[sflag:s24] =	ssyncadd.s32 $0xFFFFD800  }
0xb8: {  	[tilespmem:s15], [sflag:$0x1] =	stream.indirect.gather [hbm4b:s4+s14], $0x10, s6, s14, $0xb8;
	[tilespmem:$0x8610] =	vst v63  }
0xb9: {  	_ = 	snop  }
0xba: {  	[tilespmem:s16], [sflag:$0x3] =	stream.indirect.gather [hbm4b:s1+s14], $0x80, s6, s14, $0xb8;
	[tilespmem:$0x8610] =	vst v63  }
0xbb: {  	_ =	swait.ge [sflag:s25], $0x500  }
0xbc: {  	[sflag:s25] =	ssyncset.done $0x0  }
0xbd: {  	[sflag:s25] =	ssyncadd.s32 $0xFFFFFB00  }
0xbe: {  	_ =	swait.ge [sflag:s26], $0x2800  }
0xbf: {  	[sflag:s26] =	ssyncset.done $0x0  }
0xc0: {  	[sflag:s26] =	ssyncadd.s32 $0xFFFFD800  }
0xc1: {  	v15 =	vld.idx.msk [tilespmem:v0+s17+$0x0], $0xffff;
	_ =	sdelay $0x5  }
0xc2: {  	[tilespmem:$0x3390] =	vst v15  }
0xc3: {  	v15 =	vld.idx.msk [tilespmem:v1+s17+$0x0], $0xffff;
	_ =	sdelay $0x5  }
0xc4: {  	[tilespmem:$0x33A0] =	vst v15  }
0xc5: {  	v15 =	vld.idx.msk [tilespmem:v2+s17+$0x0], $0xffff;
	_ =	sdelay $0x5  }
0xc6: {  	[tilespmem:$0x33B0] =	vst v15  }
0xc7: {  	v15 =	vld.idx.msk [tilespmem:v3+s17+$0x0], $0xffff;
	_ =	sdelay $0x5  }
0xc8: {  	[tilespmem:$0x33C0] =	vst v15  }
0xc9: {  	v15 =	vld.idx.msk [tilespmem:v4+s17+$0x0], $0xffff;
	_ =	sdelay $0x5  }
0xca: {  	[tilespmem:$0x33D0] =	vst v15  }
0xcb: {  	v15 =	vld.idx.msk [tilespmem:v5+s17+$0x0], $0xffff;
	_ =	sdelay $0x5  }
0xcc: {  	[tilespmem:$0x33E0] =	vst v15  }
0xcd: {  	v15 =	vld.idx.msk [tilespmem:v6+s17+$0x0], $0xffff;
	_ =	sdelay $0x5  }
0xce: {  	[tilespmem:$0x33F0] =	vst v15  }
0xcf: {  	v15 =	vld.idx.msk [tilespmem:v7+s17+$0x0], $0xffff;
	_ =	sdelay $0x5  }
0xd0: {  	[tilespmem:$0x3400] =	vst v15  }
0xd1: {  	v15 =	vld.idx.msk [tilespmem:v8+s17+$0x0], $0xffff;
	_ =	sdelay $0x5  }
0xd2: {  	[tilespmem:$0x3410] =	vst v15  }
0xd3: {  	v15 =	vld.idx.msk [tilespmem:v9+s17+$0x0], $0xffff;
	_ =	sdelay $0x5  }
0xd4: {  	[tilespmem:$0x3420] =	vst v15  }
0xd5: {  	v15 =	vld.idx.msk [tilespmem:v10+s17+$0x0], $0xffff;
	_ =	sdelay $0x5  }
0xd6: {  	[tilespmem:$0x3430] =	vst v15  }
0xd7: {  	v15 =	vld.idx.msk [tilespmem:v11+s17+$0x0], $0xffff;
	_ =	sdelay $0x5  }
0xd8: {  	[tilespmem:$0x3440] =	vst v15  }
0xd9: {  	v15 =	vld.idx.msk [tilespmem:v12+s17+$0x0], $0xffff;
	_ =	sdelay $0x5  }
0xda: {  	[tilespmem:$0x3450] =	vst v15  }
0xdb: {  	v15 =	vld.idx.msk [tilespmem:v13+s17+$0x0], $0xffff;
	_ =	sdelay $0x5  }
0xdc: {  	[tilespmem:$0x3460] =	vst v15  }
0xdd: {  	v15 =	vld.idx.msk [tilespmem:v14+s17+$0x0], $0xffff;
	_ =	sdelay $0x2  }
.Ltmp0:
0xde: {  	(pc) =	sbr.rel @p0 .LBB2_2-.Ltmp0, $4  }
0xdf: {  	_ = 	snop  }
0xe0: {  	s0 =	sadd.s32 $0x14, s0  }
0xe1: {  	s2 =	sadd.s32 $0xA00, s2;
	p1 =	seq.s32 s7, $0x0;
	s5 =	sadd.s32 $0x14, s5;
	[tilespmem:$0x3470] =	vst v15  }
0xe2: {  	[hbm4b:s29+s14] =	stream.strided.scatter [tilespmem:s28], [sflag:$0x6], $0x280, s21, s14, $0x38;
	[tilespmem:$0x8610] =	vst v63  }
0xe3: {  	[hbm4b:s11+s3] =	stream.linear.scatter [tilespmem:s18], [sflag:$0x8], $0x2800, $0x38;
	[tilespmem:$0x8610] =	vst v63  }
0xe4: {  	s6 =	simm.s32 @!p1 $0x6  }
0xe5: {  	_ =	swait.ge @!p1 [sflag:s6], $0x280  }
0xe6: {  	[sflag:s6] =	ssyncset.done @!p1 $0x0  }
0xe7: {  	[sflag:s6] =	ssyncadd.s32 @!p1 $0xFFFFFD80;
	s6 =	simm.s32 @!p1 $0x8  }
0xe8: {  	_ =	swait.ge @!p1 [sflag:s6], $0x2800  }
0xe9: {  	s7 =	sshra.s32 s7, $0x2;
	[sflag:s6] =	ssyncset.done @!p1 $0x0  }
0xea: {  	s30 =	sadd.s32 $0x50, s7;
	[sflag:s6] =	ssyncadd.s32 @!p1 $0xFFFFD800  }
0xeb: {  	[tilespmem:s17], [sflag:$0x2] =	stream.indirect.gather [hbm4b:s4+s14], $0x10, s30, s14, $0xb8;
	[tilespmem:$0x8610] =	vst v63  }
0xec: {  	_ = 	snop  }
0xed: {  	[tilespmem:s18], [sflag:$0x4] =	stream.indirect.gather [hbm4b:s1+s14], $0x80, s30, s14, $0xb8;
	[tilespmem:$0x8610] =	vst v63  }
0xee: {  	_ =	swait.ge [sflag:s19], $0x500  }
0xef: {  	[sflag:s19] =	ssyncset.done $0x0  }
0xf0: {  	[sflag:s19] =	ssyncadd.s32 $0xFFFFFB00  }
0xf1: {  	_ =	swait.ge [sflag:s20], $0x2800  }
0xf2: {  	[sflag:s20] =	ssyncset.done $0x0  }
0xf3: {  	[sflag:s20] =	ssyncadd.s32 $0xFFFFD800  }
0xf4: {  	v15 =	vld.idx.msk [tilespmem:v0+s15+$0x0], $0xffff;
	_ =	sdelay $0x4  }
0xf5: {  	[tilespmem:$0x3110] =	vst v15  }
0xf6: {  	v15 =	vld.idx.msk [tilespmem:v1+s15+$0x0], $0xffff;
	_ =	sdelay $0x4  }
0xf7: {  	[tilespmem:$0x3120] =	vst v15  }
0xf8: {  	v15 =	vld.idx.msk [tilespmem:v2+s15+$0x0], $0xffff;
	_ =	sdelay $0x4  }
0xf9: {  	[tilespmem:$0x3130] =	vst v15  }
0xfa: {  	v15 =	vld.idx.msk [tilespmem:v3+s15+$0x0], $0xffff;
	_ =	sdelay $0x4  }
0xfb: {  	[tilespmem:$0x3140] =	vst v15  }
0xfc: {  	v15 =	vld.idx.msk [tilespmem:v4+s15+$0x0], $0xffff;
	_ =	sdelay $0x4  }
0xfd: {  	[tilespmem:$0x3150] =	vst v15  }
0xfe: {  	v15 =	vld.idx.msk [tilespmem:v5+s15+$0x0], $0xffff;
	_ =	sdelay $0x4  }
0xff: {  	[tilespmem:$0x3160] =	vst v15  }
0x100: {  	v15 =	vld.idx.msk [tilespmem:v6+s15+$0x0], $0xffff;
	_ =	sdelay $0x4  }
0x101: {  	[tilespmem:$0x3170] =	vst v15  }
0x102: {  	v15 =	vld.idx.msk [tilespmem:v7+s15+$0x0], $0xffff;
	_ =	sdelay $0x4  }
0x103: {  	[tilespmem:$0x3180] =	vst v15  }
0x104: {  	v15 =	vld.idx.msk [tilespmem:v8+s15+$0x0], $0xffff;
	_ =	sdelay $0x4  }
0x105: {  	[tilespmem:$0x3190] =	vst v15  }
0x106: {  	v15 =	vld.idx.msk [tilespmem:v9+s15+$0x0], $0xffff;
	_ =	sdelay $0x4  }
0x107: {  	[tilespmem:$0x31A0] =	vst v15  }
0x108: {  	v15 =	vld.idx.msk [tilespmem:v10+s15+$0x0], $0xffff;
	_ =	sdelay $0x4  }
0x109: {  	[tilespmem:$0x31B0] =	vst v15  }
0x10a: {  	v15 =	vld.idx.msk [tilespmem:v11+s15+$0x0], $0xffff;
	_ =	sdelay $0x4  }
0x10b: {  	[tilespmem:$0x31C0] =	vst v15  }
0x10c: {  	v15 =	vld.idx.msk [tilespmem:v12+s15+$0x0], $0xffff;
	_ =	sdelay $0x4  }
0x10d: {  	[tilespmem:$0x31D0] =	vst v15  }
0x10e: {  	v15 =	vld.idx.msk [tilespmem:v13+s15+$0x0], $0xffff;
	_ =	sdelay $0x4  }
0x10f: {  	[tilespmem:$0x31E0] =	vst v15  }
0x110: {  	v15 =	vld.idx.msk [tilespmem:v14+s15+$0x0], $0xffff;
	_ =	sdelay $0x4  }
0x111: {  	[tilespmem:$0x31F0] =	vst v15  }
0x112: {  	[hbm4b:s5+s14] =	stream.strided.scatter [tilespmem:s22], [sflag:$0x5], $0x280, s21, s14, $0x38;
	[tilespmem:$0x8610] =	vst v63  }
0x113: {  	s6 =	sadd.s32 $0xA00, s9  }
0x114: {  	[hbm4b:s6+s3] =	stream.linear.scatter [tilespmem:s16], [sflag:$0x7], $0x2800, $0x38;
	[tilespmem:$0x8610] =	vst v63  }
0x115: {  	_ =	swait.ge [sflag:s23], $0x280  }
0x116: {  	[sflag:s23] =	ssyncset.done $0x0  }
0x117: {  	[sflag:s23] =	ssyncadd.s32 $0xFFFFFD80  }
0x118: {  	_ =	swait.ge [sflag:s24], $0x2800  }
0x119: {  	[sflag:s24] =	ssyncset.done $0x0  }
0x11a: {  	s8 =	sadd.s32 $0xA0, s7;
	[sflag:s24] =	ssyncadd.s32 $0xFFFFD800  }
0x11b: {  	[tilespmem:s15], [sflag:$0x1] =	stream.indirect.gather [hbm4b:s4+s14], $0x10, s8, s14, $0xb8;
	[tilespmem:$0x8610] =	vst v63  }
0x11c: {  	_ = 	snop  }
0x11d: {  	[tilespmem:s16], [sflag:$0x3] =	stream.indirect.gather [hbm4b:s1+s14], $0x80, s8, s14, $0xb8;
	[tilespmem:$0x8610] =	vst v63  }
0x11e: {  	_ =	swait.ge [sflag:s25], $0x500  }
0x11f: {  	[sflag:s25] =	ssyncset.done $0x0  }
0x120: {  	[sflag:s25] =	ssyncadd.s32 $0xFFFFFB00  }
0x121: {  	_ =	swait.ge [sflag:s26], $0x2800  }
0x122: {  	[sflag:s26] =	ssyncset.done $0x0  }
0x123: {  	[sflag:s26] =	ssyncadd.s32 $0xFFFFD800  }
0x124: {  	v15 =	vld.idx.msk [tilespmem:v0+s17+$0x0], $0xffff;
	_ =	sdelay $0x4  }
0x125: {  	[tilespmem:$0x3390] =	vst v15  }
0x126: {  	v15 =	vld.idx.msk [tilespmem:v1+s17+$0x0], $0xffff;
	_ =	sdelay $0x4  }
0x127: {  	[tilespmem:$0x33A0] =	vst v15  }
0x128: {  	v15 =	vld.idx.msk [tilespmem:v2+s17+$0x0], $0xffff;
	_ =	sdelay $0x4  }
0x129: {  	[tilespmem:$0x33B0] =	vst v15  }
0x12a: {  	v15 =	vld.idx.msk [tilespmem:v3+s17+$0x0], $0xffff;
	_ =	sdelay $0x4  }
0x12b: {  	[tilespmem:$0x33C0] =	vst v15  }
0x12c: {  	v15 =	vld.idx.msk [tilespmem:v4+s17+$0x0], $0xffff;
	_ =	sdelay $0x4  }
0x12d: {  	[tilespmem:$0x33D0] =	vst v15  }
0x12e: {  	v15 =	vld.idx.msk [tilespmem:v5+s17+$0x0], $0xffff;
	_ =	sdelay $0x4  }
0x12f: {  	[tilespmem:$0x33E0] =	vst v15  }
0x130: {  	v15 =	vld.idx.msk [tilespmem:v6+s17+$0x0], $0xffff;
	_ =	sdelay $0x4  }
0x131: {  	[tilespmem:$0x33F0] =	vst v15  }
0x132: {  	v15 =	vld.idx.msk [tilespmem:v7+s17+$0x0], $0xffff;
	_ =	sdelay $0x4  }
0x133: {  	[tilespmem:$0x3400] =	vst v15  }
0x134: {  	v15 =	vld.idx.msk [tilespmem:v8+s17+$0x0], $0xffff;
	_ =	sdelay $0x4  }
0x135: {  	[tilespmem:$0x3410] =	vst v15  }
0x136: {  	v15 =	vld.idx.msk [tilespmem:v9+s17+$0x0], $0xffff;
	_ =	sdelay $0x4  }
0x137: {  	[tilespmem:$0x3420] =	vst v15  }
0x138: {  	v15 =	vld.idx.msk [tilespmem:v10+s17+$0x0], $0xffff;
	_ =	sdelay $0x4  }
0x139: {  	[tilespmem:$0x3430] =	vst v15  }
0x13a: {  	v15 =	vld.idx.msk [tilespmem:v11+s17+$0x0], $0xffff;
	_ =	sdelay $0x4  }
0x13b: {  	[tilespmem:$0x3440] =	vst v15  }
0x13c: {  	v15 =	vld.idx.msk [tilespmem:v12+s17+$0x0], $0xffff;
	_ =	sdelay $0x4  }
0x13d: {  	[tilespmem:$0x3450] =	vst v15  }
0x13e: {  	v15 =	vld.idx.msk [tilespmem:v13+s17+$0x0], $0xffff;
	_ =	sdelay $0x4  }
0x13f: {  	[tilespmem:$0x3460] =	vst v15  }
0x140: {  	v15 =	vld.idx.msk [tilespmem:v14+s17+$0x0], $0xffff;
	_ =	sdelay $0x4  }
0x141: {  	[tilespmem:$0x3470] =	vst v15  }
0x142: {  	[hbm4b:s0+s14] =	stream.strided.scatter [tilespmem:s28], [sflag:$0x6], $0x280, s21, s14, $0x38;
	[tilespmem:$0x8610] =	vst v63  }
0x143: {  	s9 =	simm.s32 $0x6  }
0x144: {  	[hbm4b:s2+s3] =	stream.linear.scatter [tilespmem:s18], [sflag:$0x8], $0x2800, $0x38;
	[tilespmem:$0x8610] =	vst v63  }
0x145: {  	_ =	swait.ge [sflag:s9], $0x280  }
0x146: {  	[sflag:s9] =	ssyncset.done $0x0  }
0x147: {  	s10 =	simm.s32 $0x8;
	[sflag:s9] =	ssyncadd.s32 $0xFFFFFD80  }
0x148: {  	_ =	swait.ge [sflag:s10], $0x2800  }
0x149: {  	[sflag:s10] =	ssyncset.done $0x0  }
0x14a: {  	[sflag:s10] =	ssyncadd.s32 $0xFFFFD800  }
0x14b: {  	_ =	swait.ge [sflag:s19], $0x500  }
0x14c: {  	[sflag:s19] =	ssyncset.done $0x0  }
0x14d: {  	[sflag:s19] =	ssyncadd.s32 $0xFFFFFB00  }
0x14e: {  	_ =	swait.ge [sflag:s20], $0x2800  }
0x14f: {  	[sflag:s20] =	ssyncset.done $0x0  }
0x150: {  	[sflag:s20] =	ssyncadd.s32 $0xFFFFD800  }
0x151: {  	v15 =	vld.idx.msk [tilespmem:v0+s15+$0x0], $0xffff;
	_ =	sdelay $0x4  }
0x152: {  	[tilespmem:$0x3110] =	vst v15  }
0x153: {  	v15 =	vld.idx.msk [tilespmem:v1+s15+$0x0], $0xffff;
	_ =	sdelay $0x4  }
0x154: {  	[tilespmem:$0x3120] =	vst v15  }
0x155: {  	v15 =	vld.idx.msk [tilespmem:v2+s15+$0x0], $0xffff;
	_ =	sdelay $0x4  }
0x156: {  	[tilespmem:$0x3130] =	vst v15  }
0x157: {  	v15 =	vld.idx.msk [tilespmem:v3+s15+$0x0], $0xffff;
	_ =	sdelay $0x4  }
0x158: {  	[tilespmem:$0x3140] =	vst v15  }
0x159: {  	v15 =	vld.idx.msk [tilespmem:v4+s15+$0x0], $0xffff;
	_ =	sdelay $0x4  }
0x15a: {  	[tilespmem:$0x3150] =	vst v15  }
0x15b: {  	v15 =	vld.idx.msk [tilespmem:v5+s15+$0x0], $0xffff;
	_ =	sdelay $0x4  }
0x15c: {  	[tilespmem:$0x3160] =	vst v15  }
0x15d: {  	v15 =	vld.idx.msk [tilespmem:v6+s15+$0x0], $0xffff;
	_ =	sdelay $0x4  }
0x15e: {  	[tilespmem:$0x3170] =	vst v15  }
0x15f: {  	v15 =	vld.idx.msk [tilespmem:v7+s15+$0x0], $0xffff;
	_ =	sdelay $0x4  }
0x160: {  	[tilespmem:$0x3180] =	vst v15  }
0x161: {  	v15 =	vld.idx.msk [tilespmem:v8+s15+$0x0], $0xffff;
	_ =	sdelay $0x4  }
0x162: {  	[tilespmem:$0x3190] =	vst v15  }
0x163: {  	v15 =	vld.idx.msk [tilespmem:v9+s15+$0x0], $0xffff;
	_ =	sdelay $0x4  }
0x164: {  	[tilespmem:$0x31A0] =	vst v15  }
0x165: {  	v15 =	vld.idx.msk [tilespmem:v10+s15+$0x0], $0xffff;
	_ =	sdelay $0x4  }
0x166: {  	[tilespmem:$0x31B0] =	vst v15  }
0x167: {  	v15 =	vld.idx.msk [tilespmem:v11+s15+$0x0], $0xffff;
	_ =	sdelay $0x4  }
0x168: {  	[tilespmem:$0x31C0] =	vst v15  }
0x169: {  	v15 =	vld.idx.msk [tilespmem:v12+s15+$0x0], $0xffff;
	_ =	sdelay $0x4  }
0x16a: {  	[tilespmem:$0x31D0] =	vst v15  }
0x16b: {  	v15 =	vld.idx.msk [tilespmem:v13+s15+$0x0], $0xffff;
	_ =	sdelay $0x4  }
0x16c: {  	[tilespmem:$0x31E0] =	vst v15  }
0x16d: {  	v15 =	vld.idx.msk [tilespmem:v14+s15+$0x0], $0xffff;
	_ =	sdelay $0x4  }
0x16e: {  	s11 =	rddreg [dreg:$0x5];
	[tilespmem:$0x31F0] =	vst v15  }
0x16f: {  	[hbm4b:s11+s14] =	stream.strided.scatter [tilespmem:s22], [sflag:$0x5], $0x280, s21, s14, $0x38;
	[tilespmem:$0x8610] =	vst v63  }
0x170: {  	s29 =	rddreg [dreg:$0x6]  }
0x171: {  	[hbm4b:s29+s3] =	stream.linear.scatter [tilespmem:s16], [sflag:$0x7], $0x2800, $0x38;
	[tilespmem:$0x8610] =	vst v63  }
0x172: {  	_ =	swait.ge [sflag:s23], $0x280  }
0x173: {  	[sflag:s23] =	ssyncset.done $0x0  }
0x174: {  	[sflag:s23] =	ssyncadd.s32 $0xFFFFFD80  }
0x175: {  	_ =	swait.ge [sflag:s24], $0x2800  }
0x176: {  	s31 =	sadd.s32 $0x1, s31;
	s30 =	rddreg [dreg:$0x7]  }
0x177: {  	p0 =	sne.s32 s31, s30  }
.Ltmp1:
0x178: {  	_ = 	snop;
	(pc) =	sbr.rel @p0 .LBB2_1-.Ltmp1, $3  }
0x179: {  	_ =	sdelay $0x1  }
0x17a: {  	[sflag:s24] =	ssyncset.done $0x0  }
0x17b: {  	[sflag:s24] =	ssyncadd.s32 $0xFFFFD800  }
0x17c: {  	_ =	sfence.sel $0x180000  }
0x17d: {  	[bflag:$0x0] =	sbarrier.arrive $0xFFFF  }
0x17e: {  	_ =	strace $0x90000047  }
0x17f: {  	s0 =	stileid.u32;
	[bflag:$0x2] =	sbarrier.arrive $0xFFFF  }
0x180: {  	p0 =	sne.s32 s0, $0x0;
	s0 =	rddreg [dreg:$0x3]  }
0x181: {  	s0 =	sadd.s32 @!p0 $0x100000, s0  }
0x182: {  	[sflag:s0] =	ssyncadd.tile.s32 @!p0 $0x1;
	_ =	shalt  }
.Lfunc_end2:
_tile_overlayer_lowered:
.L_overlay_start_2:
0x183: {  	(tag) =	ssettag $0x2  }
0x184: {  	s0 =	rddreg [dreg:$0x0];
	s2 =	stileid.u32  }
0x185: {  	s1 =	rddreg [dreg:$0x1];
	p0 =	sne.s32 s2, $0x0  }
0x186: {  	s3 =	rddreg [dreg:$0x2];
	[bflag:$0x3] =	sbarrier.arrive $0xFFFF;
	s2 =	simm.s32 @!p0 $0x1C09  }
0x187: {  	[timem:s3], [sflag:s2] =	dma.local @!p0 [hbm:s0], s1  }
0x188: {  	s0 =	simm.s32 @!p0 $0x9  }
0x189: {  	_ =	swait.ge @!p0 [sflag:s0], s1  }
0x18a: {  	s1 =	ssub.s32 @!p0 $0x0, s1;
	[sflag:s0] =	ssyncset.done @!p0 $0x0  }
0x18b: {  	[sflag:s0] =	ssyncadd.s32 @!p0 s1  }
0x18c: {  	[bflag:$0x3] =	sbarrier.arrive $0xFFFF  }
0x18d: {  	_ =	shalt  }

</sc_bundles>
